<compile_context>
chip_gen: v7x
topology: tpu7x:2x2x1
jax: 0.10.2.dev20260603
libtpu: 0.0.44.dev20260713+nightly
codegen_flags: <defaults>
</compile_context>

<pallas_src>
import functools

import jax
import jax.numpy as jnp
import numpy as np
from jax import lax
from jax.experimental import pallas as pl
from jax.experimental.pallas import tpu as pltpu
from jax.experimental.pallas import tpu_sc as plsc

_C = np.float32(256.0 / 255.0)


def _bin0_threshold():
    v = np.float32(255.0 / 256.0)
    while np.float32(v * _C) >= np.float32(1.0):
        v = np.nextafter(v, np.float32(0.0), dtype=np.float32)
    nxt = np.nextafter(v, np.float32(np.inf), dtype=np.float32)
    while np.float32(nxt * _C) < np.float32(1.0):
        v = nxt
        nxt = np.nextafter(v, np.float32(np.inf), dtype=np.float32)
    return nxt


_T = _bin0_threshold()

_N = 32 * 3 * 512 * 512
_NW = 32
_ROWS = _N // 512
_CROWS = 48
_CVECS = 512 // 16

_SC_ROWS = 18432
_SC_RPW = _SC_ROWS // _NW
_SC_NCHUNK = _SC_RPW // _CROWS


def _sc_reduce(a2d, b2d):
    mesh = plsc.VectorSubcoreMesh(core_axis_name="c", subcore_axis_name="s")

    @functools.partial(
        pl.kernel,
        mesh=mesh,
        out_type=jax.ShapeDtypeStruct((_NW, 48), jnp.float32),
        scratch_types=[
            pltpu.VMEM((_CROWS, 512), jnp.float32),
            pltpu.VMEM((_CROWS, 512), jnp.float32),
            pltpu.VMEM((_CROWS, 512), jnp.float32),
            pltpu.VMEM((_CROWS, 512), jnp.float32),
            pltpu.VMEM((48,), jnp.float32),
            pltpu.SemaphoreType.DMA,
            pltpu.SemaphoreType.DMA,
        ],
        compiler_params=pltpu.CompilerParams(use_tc_tiling_on_sc=True),
    )
    def k(a_hbm, b_hbm, out_hbm, a_v0, b_v0, a_v1, b_v1, res_v, sem0, sem1):
        wid = lax.axis_index("s") * 2 + lax.axis_index("c")
        base = wid * _SC_RPW

        def issue(ci, a_dst, b_dst, sem):
            off = base + ci * _CROWS
            pltpu.make_async_copy(a_hbm.at[pl.ds(off, _CROWS)], a_dst, sem).start()
            pltpu.make_async_copy(b_hbm.at[pl.ds(off, _CROWS)], b_dst, sem).start()

        def drain(a_dst, b_dst, sem):
            pltpu.make_async_copy(a_hbm.at[pl.ds(0, _CROWS)], a_dst, sem).wait()
            pltpu.make_async_copy(b_hbm.at[pl.ds(0, _CROWS)], b_dst, sem).wait()

        def compute(a_buf, b_buf, carry):
            def row_body(r, c1):
                def vec_body(c, c2):
                    s, ca, cb = c2
                    a = a_buf[r, pl.ds(c * 16, 16)]
                    b = b_buf[r, pl.ds(c * 16, 16)]
                    d = a - b
                    s = s + d * d
                    ca = ca + jnp.where(a < _T, 1.0, 0.0)
                    cb = cb + jnp.where(b < _T, 1.0, 0.0)
                    return (s, ca, cb)

                return lax.fori_loop(0, _CVECS, vec_body, c1, unroll=16)

            return lax.fori_loop(0, _CROWS, row_body, carry)

        issue(0, a_v0, b_v0, sem0)

        def body(h, carry):
            issue(2 * h + 1, a_v1, b_v1, sem1)
            drain(a_v0, b_v0, sem0)
            carry = compute(a_v0, b_v0, carry)

            @pl.when(h < _SC_NCHUNK // 2 - 1)
            def _():
                issue(2 * h + 2, a_v0, b_v0, sem0)

            drain(a_v1, b_v1, sem1)
            carry = compute(a_v1, b_v1, carry)
            return carry

        zf = jnp.zeros((16,), jnp.float32)
        s, ca, cb = lax.fori_loop(0, _SC_NCHUNK // 2, body, (zf, zf, zf))
        res_v[pl.ds(0, 16)] = s
        res_v[pl.ds(16, 16)] = ca
        res_v[pl.ds(32, 16)] = cb
        pltpu.sync_copy(res_v, out_hbm.at[wid])

    return k(a2d, b2d)


_TC_BR = 2048


def _tc_body(a_ref, b_ref, s_ref, ca_ref, cb_ref):
    i = pl.program_id(0)

    @pl.when(i == 0)
    def _init():
        s_ref[...] = jnp.zeros_like(s_ref)
        ca_ref[...] = jnp.zeros_like(ca_ref)
        cb_ref[...] = jnp.zeros_like(cb_ref)

    a = a_ref[...]
    b = b_ref[...]
    d = a - b
    s_ref[...] += jnp.sum((d * d).reshape(-1, 8, 512), axis=0)
    ca_ref[...] += jnp.sum(
        jnp.where(a < _T, 1.0, 0.0).reshape(-1, 8, 512), axis=0)
    cb_ref[...] += jnp.sum(
        jnp.where(b < _T, 1.0, 0.0).reshape(-1, 8, 512), axis=0)


def _tc_reduce(a2d, b2d, row_block_off, grid):
    vec_out = jax.ShapeDtypeStruct((8, 512), jnp.float32)
    out_spec = pl.BlockSpec((8, 512), lambda i: (0, 0))
    return pl.pallas_call(
        _tc_body,
        grid=(grid,),
        in_specs=[
            pl.BlockSpec((_TC_BR, 512), lambda i: (i + row_block_off, 0)),
            pl.BlockSpec((_TC_BR, 512), lambda i: (i + row_block_off, 0)),
        ],
        out_specs=[out_spec, out_spec, out_spec],
        out_shape=[vec_out, vec_out, vec_out],
    )(a2d, b2d)


@jax.jit
def _loss(input_img, ref_img, batchsize, gray_rate):
    a2d = input_img.reshape(_ROWS, 512)
    b2d = ref_img.reshape(_ROWS, 512)
    parts = _sc_reduce(a2d, b2d)
    ts, tca, tcb = _tc_reduce(
        a2d, b2d, _SC_ROWS // _TC_BR, (_ROWS - _SC_ROWS) // _TC_BR)
    s = jnp.sum(ts) + jnp.sum(parts[:, 0:16])
    c_inp = jnp.sum(tca.astype(jnp.int32)) + jnp.sum(
        parts[:, 16:32].astype(jnp.int32))
    c_ref = jnp.sum(tcb.astype(jnp.int32)) + jnp.sum(
        parts[:, 32:48].astype(jnp.int32))
    mse = s / jnp.float32(_N)
    dcount = (c_ref - c_inp).astype(jnp.float32)
    bsz = jnp.asarray(batchsize, jnp.float32)
    loss_intensity = (bsz * dcount) ** 2
    return mse + jnp.asarray(gray_rate, jnp.float32) * loss_intensity


def kernel(input_img, ref_img, batchsize, gray_rate):
    return _loss(input_img, ref_img, batchsize, gray_rate)

# --- scband reference (transcript-rebuilt; emitter-appended) ---
"""Pipeline reference for scband-intensity-loss-10995116278402 (READ-ONLY COPY).

The authoritative reference and input builder live on the scoring server;
editing this copy changes nothing except your own understanding.
"""

import jax, jax.numpy as jnp
import numpy as np


def _histc256(x):
    # torch.histc(x, bins=256, min=0, max=255): bin width = 255/256,
    # out-of-range elements are ignored, x == max goes to the last bin.
    xf = x.ravel()
    idx = jnp.clip(jnp.floor(xf * (256.0 / 255.0)), 0.0, 255.0).astype(jnp.int32)
    in_range = ((xf >= 0.0) & (xf <= 255.0)).astype(jnp.float32)
    return jnp.zeros((256,), jnp.float32).at[idx].add(in_range)


def _get_intensity_info(batchsize, x):
    # Original loop computes the same hist `batchsize` times and accumulates
    # the scalar hist[0] into a 256-vector initialized to zeros.
    hist = _histc256(x)
    count = jnp.zeros((256,), jnp.float32) + batchsize * hist[0]
    return (hist, count)


def setup_inputs(seed: int = 0):
    key = jax.random.key(seed)
    k1, k2 = jax.random.split(key)
    # images with intensities in [0, 255)
    input_img = jax.random.uniform(k1, (32, 3, 512, 512), dtype=jnp.float32) * 255.0
    ref_img = jax.random.uniform(k2, (32, 3, 512, 512), dtype=jnp.float32) * 255.0
    return {"input_img": input_img, "ref_img": ref_img, "batchsize": 32, "gray_rate": 3e-20}


def reference(input_img, ref_img, batchsize, gray_rate=3e-20):
    ref_d = jax.lax.stop_gradient(ref_img)      # ref_img.detach()
    inp_d = jax.lax.stop_gradient(input_img)    # input_img.detach()
    ref_intensity = _get_intensity_info(batchsize, ref_d)
    input_intensity = _get_intensity_info(batchsize, inp_d)
    loss_mse = jnp.mean((input_img - ref_img) ** 2)
    loss_intensity = jnp.mean((ref_intensity[1] - input_intensity[1]) ** 2)
    return loss_mse + gray_rate * loss_intensity

if __name__ == "__main__":
    import jax
    _d = setup_inputs()
    print(jax.jit(kernel)(*tuple(_d.values())))

</pallas_src>

<mosaic_0001>
#map = affine_map<(d0, d1) -> (0, 0)>
module attributes {stable_mosaic.version = 14 : i64} {
  func.func @k(%arg0: i32, %arg1: i32, %arg2: memref<49152x512xf32, #tpu.memory_space<hbm>>, %arg3: memref<49152x512xf32, #tpu.memory_space<hbm>>, %arg4: memref<32x48xf32, #tpu.memory_space<hbm>>, %arg5: memref<48x512xf32, #tpu.memory_space<vmem>>, %arg6: memref<48x512xf32, #tpu.memory_space<vmem>>, %arg7: memref<48x512xf32, #tpu.memory_space<vmem>>, %arg8: memref<48x512xf32, #tpu.memory_space<vmem>>, %arg9: memref<48xf32, #tpu.memory_space<vmem>>, %arg10: memref<!tpu.dma_semaphore, #tpu.memory_space<semaphore_mem>>, %arg11: memref<!tpu.dma_semaphore, #tpu.memory_space<semaphore_mem>>) attributes {dimension_semantics = [#tpu.dimension_semantics<core_parallel>, #tpu.dimension_semantics<subcore_parallel>], iteration_bounds = array<i64: 2, 16>, scalar_prefetch = 0 : i64, scratch_operands = 7 : i64, tpu.core_type = #tpu.core_type<sc_vector_subcore>, window_params = [{transform_indices = #map}, {transform_indices = #map}, {transform_indices = #map}]} {
    %mul3A = arith.constant 2 : i32
    %mul3A_0 = arith.muli %arg1, %mul3A : i32
    %add3A = arith.addi %mul3A_0, %arg0 : i32
    %mul3A_1 = arith.constant 576 : i32
    %mul3A_2 = arith.muli %add3A, %mul3A_1 : i32
    %add3A_3 = arith.constant 0 : i32
    %add3A_4 = arith.addi %mul3A_2, %add3A_3 : i32
    %dma_start3A = arith.constant 0 : i32
    %dma_start3A_5 = tpu.memref_slice %arg2[%add3A_4, %dma_start3A] : memref<49152x512xf32, #tpu.memory_space<hbm>> -> memref<48x512xf32, #tpu.memory_space<hbm>>
    %dma_start3A_6 = arith.constant 0 : i32
    %dma_start3A_7 = tpu.memref_slice %arg2[%add3A_4, %dma_start3A_6] : memref<49152x512xf32, #tpu.memory_space<hbm>> -> memref<48x512xf32, #tpu.memory_space<hbm>>
    tpu.enqueue_dma source(%dma_start3A_7 : memref<48x512xf32, #tpu.memory_space<hbm>>) target(%arg5 : memref<48x512xf32, #tpu.memory_space<vmem>>) target_semaphore(%arg10 : memref<!tpu.dma_semaphore, #tpu.memory_space<semaphore_mem>>)
    %dma_start3A_8 = arith.constant 0 : i32
    %dma_start3A_9 = tpu.memref_slice %arg3[%add3A_4, %dma_start3A_8] : memref<49152x512xf32, #tpu.memory_space<hbm>> -> memref<48x512xf32, #tpu.memory_space<hbm>>
    %dma_start3A_10 = arith.constant 0 : i32
    %dma_start3A_11 = tpu.memref_slice %arg3[%add3A_4, %dma_start3A_10] : memref<49152x512xf32, #tpu.memory_space<hbm>> -> memref<48x512xf32, #tpu.memory_space<hbm>>
    tpu.enqueue_dma source(%dma_start3A_11 : memref<48x512xf32, #tpu.memory_space<hbm>>) target(%arg6 : memref<48x512xf32, #tpu.memory_space<vmem>>) target_semaphore(%arg10 : memref<!tpu.dma_semaphore, #tpu.memory_space<semaphore_mem>>)
    %broadcast_in_dim3A = arith.constant 0.000000e+00 : f32
    %broadcast_in_dim3A_12 = vector.broadcast %broadcast_in_dim3A : f32 to vector<16xf32>
    %scan3A = arith.constant 0 : i32
    %scan3A_13 = arith.constant 6 : i32
    %scan3A_14 = arith.addi %scan3A, %scan3A_13 : i32
    %scan3A_15 = arith.constant 1 : i32
    %scan3A_16:3 = scf.for %scan3A_29 = %scan3A to %scan3A_14 step %scan3A_15 iter_args(%scan3A_30 = %broadcast_in_dim3A_12, %scan3A_31 = %broadcast_in_dim3A_12, %scan3A_32 = %broadcast_in_dim3A_12) -> (vector<16xf32>, vector<16xf32>, vector<16xf32>)  : i32 {
      %mul3A_33 = arith.constant 2 : i32
      %mul3A_34 = arith.muli %mul3A_33, %scan3A_29 : i32
      %add3A_35 = arith.constant 1 : i32
      %add3A_36 = arith.addi %mul3A_34, %add3A_35 : i32
      %mul3A_37 = arith.constant 48 : i32
      %mul3A_38 = arith.muli %add3A_36, %mul3A_37 : i32
      %add3A_39 = arith.addi %mul3A_2, %mul3A_38 : i32
      %dma_start3A_40 = arith.constant 0 : i32
      %dma_start3A_41 = tpu.memref_slice %arg2[%add3A_39, %dma_start3A_40] : memref<49152x512xf32, #tpu.memory_space<hbm>> -> memref<48x512xf32, #tpu.memory_space<hbm>>
      %dma_start3A_42 = arith.constant 0 : i32
      %dma_start3A_43 = tpu.memref_slice %arg2[%add3A_39, %dma_start3A_42] : memref<49152x512xf32, #tpu.memory_space<hbm>> -> memref<48x512xf32, #tpu.memory_space<hbm>>
      tpu.enqueue_dma source(%dma_start3A_43 : memref<48x512xf32, #tpu.memory_space<hbm>>) target(%arg7 : memref<48x512xf32, #tpu.memory_space<vmem>>) target_semaphore(%arg11 : memref<!tpu.dma_semaphore, #tpu.memory_space<semaphore_mem>>)
      %dma_start3A_44 = arith.constant 0 : i32
      %dma_start3A_45 = tpu.memref_slice %arg3[%add3A_39, %dma_start3A_44] : memref<49152x512xf32, #tpu.memory_space<hbm>> -> memref<48x512xf32, #tpu.memory_space<hbm>>
      %dma_start3A_46 = arith.constant 0 : i32
      %dma_start3A_47 = tpu.memref_slice %arg3[%add3A_39, %dma_start3A_46] : memref<49152x512xf32, #tpu.memory_space<hbm>> -> memref<48x512xf32, #tpu.memory_space<hbm>>
      tpu.enqueue_dma source(%dma_start3A_47 : memref<48x512xf32, #tpu.memory_space<hbm>>) target(%arg8 : memref<48x512xf32, #tpu.memory_space<vmem>>) target_semaphore(%arg11 : memref<!tpu.dma_semaphore, #tpu.memory_space<semaphore_mem>>)
      %dma_wait3A = arith.constant 0 : i32
      %dma_wait3A_48 = arith.constant 0 : i32
      %dma_wait3A_49 = tpu.memref_slice %arg2[%dma_wait3A, %dma_wait3A_48] : memref<49152x512xf32, #tpu.memory_space<hbm>> -> memref<48x512xf32, #tpu.memory_space<hbm>>
      %dma_wait3A_50 = arith.constant 0 : i32
      %dma_wait3A_51 = arith.constant 0 : i32
      %dma_wait3A_52 = tpu.memref_slice %arg2[%dma_wait3A_50, %dma_wait3A_51] : memref<49152x512xf32, #tpu.memory_space<hbm>> -> memref<48x512xf32, #tpu.memory_space<hbm>>
      tpu.wait_dma2 semaphore(%arg10 : memref<!tpu.dma_semaphore, #tpu.memory_space<semaphore_mem>>) src(%dma_wait3A_52 : memref<48x512xf32, #tpu.memory_space<hbm>>) dst(%arg5 : memref<48x512xf32, #tpu.memory_space<vmem>>)
      %dma_wait3A_53 = arith.constant 0 : i32
      %dma_wait3A_54 = arith.constant 0 : i32
      %dma_wait3A_55 = tpu.memref_slice %arg3[%dma_wait3A_53, %dma_wait3A_54] : memref<49152x512xf32, #tpu.memory_space<hbm>> -> memref<48x512xf32, #tpu.memory_space<hbm>>
      %dma_wait3A_56 = arith.constant 0 : i32
      %dma_wait3A_57 = arith.constant 0 : i32
      %dma_wait3A_58 = tpu.memref_slice %arg3[%dma_wait3A_56, %dma_wait3A_57] : memref<49152x512xf32, #tpu.memory_space<hbm>> -> memref<48x512xf32, #tpu.memory_space<hbm>>
      tpu.wait_dma2 semaphore(%arg10 : memref<!tpu.dma_semaphore, #tpu.memory_space<semaphore_mem>>) src(%dma_wait3A_58 : memref<48x512xf32, #tpu.memory_space<hbm>>) dst(%arg6 : memref<48x512xf32, #tpu.memory_space<vmem>>)
      %scan3A_59 = arith.constant 0 : i32
      %scan3A_60 = arith.constant 48 : i32
      %scan3A_61 = arith.addi %scan3A_59, %scan3A_60 : i32
      %scan3A_62 = arith.constant 1 : i32
      %scan3A_63:3 = scf.for %scan3A_85 = %scan3A_59 to %scan3A_61 step %scan3A_62 iter_args(%scan3A_86 = %scan3A_30, %scan3A_87 = %scan3A_31, %scan3A_88 = %scan3A_32) -> (vector<16xf32>, vector<16xf32>, vector<16xf32>)  : i32 {
        %scan3A_89 = arith.constant 0 : i32
        %scan3A_90 = arith.constant 32 : i32
        %scan3A_91 = arith.addi %scan3A_89, %scan3A_90 : i32
        %scan3A_92 = arith.constant 16 : i32
        %scan3A_93:3 = scf.for %scan3A_95 = %scan3A_89 to %scan3A_91 step %scan3A_92 iter_args(%scan3A_96 = %scan3A_86, %scan3A_97 = %scan3A_87, %scan3A_98 = %scan3A_88) -> (vector<16xf32>, vector<16xf32>, vector<16xf32>)  : i32 {
          %mul3A_99 = arith.constant 16 : i32
          %mul3A_100 = arith.muli %scan3A_95, %mul3A_99 : i32
          %get3A = arith.index_cast %scan3A_85 : i32 to index
          %get3A_101 = arith.index_cast %mul3A_100 : i32 to index
          %get3A_102 = tpu.vector_load %arg5[%get3A, %get3A_101] {strides = array<i32>} : memref<48x512xf32, #tpu.memory_space<vmem>>, vector<1x16xf32>,
          %get3A_103 = vector.shape_cast %get3A_102 : vector<1x16xf32> to vector<16xf32>
          %mul3A_104 = arith.constant 16 : i32
          %mul3A_105 = arith.muli %scan3A_95, %mul3A_104 : i32
          %get3A_106 = arith.index_cast %scan3A_85 : i32 to index
          %get3A_107 = arith.index_cast %mul3A_105 : i32 to index
          %get3A_108 = tpu.vector_load %arg6[%get3A_106, %get3A_107] {strides = array<i32>} : memref<48x512xf32, #tpu.memory_space<vmem>>, vector<1x16xf32>,
          %get3A_109 = vector.shape_cast %get3A_108 : vector<1x16xf32> to vector<16xf32>
          %sub3A = arith.subf %get3A_103, %get3A_109 : vector<16xf32>
          %mul3A_110 = arith.mulf %sub3A, %sub3A : vector<16xf32>
          %add3A_111 = arith.addf %scan3A_96, %mul3A_110 : vector<16xf32>
          %lt3A_112 = arith.constant 0.99609369 : f32
          %lt3A_113 = vector.broadcast %lt3A_112 : f32 to vector<16xf32>
          %lt3A_114 = arith.cmpf olt, %get3A_103, %lt3A_113 : vector<16xf32>
          %jit3A = arith.constant 1.000000e+00 : f32
          %jit3A_115 = arith.constant 0.000000e+00 : f32
          %broadcast_in_dim3A_116 = vector.broadcast %jit3A : f32 to vector<16xf32>
          %broadcast_in_dim3A_117 = vector.broadcast %jit3A_115 : f32 to vector<16xf32>
          %select_n3A = arith.select %lt3A_114, %broadcast_in_dim3A_116, %broadcast_in_dim3A_117 : vector<16xi1>, vector<16xf32>
          %add3A_118 = arith.addf %scan3A_97, %select_n3A : vector<16xf32>
          %lt3A_119 = arith.constant 0.99609369 : f32
          %lt3A_120 = vector.broadcast %lt3A_119 : f32 to vector<16xf32>
          %lt3A_121 = arith.cmpf olt, %get3A_109, %lt3A_120 : vector<16xf32>
          %jit3A_122 = arith.constant 1.000000e+00 : f32
          %jit3A_123 = arith.constant 0.000000e+00 : f32
          %broadcast_in_dim3A_124 = vector.broadcast %jit3A_122 : f32 to vector<16xf32>
          %broadcast_in_dim3A_125 = vector.broadcast %jit3A_123 : f32 to vector<16xf32>
          %select_n3A_126 = arith.select %lt3A_121, %broadcast_in_dim3A_124, %broadcast_in_dim3A_125 : vector<16xi1>, vector<16xf32>
          %add3A_127 = arith.addf %scan3A_98, %select_n3A_126 : vector<16xf32>
          %scan3A_128 = arith.constant 1 : i32
          %scan3A_129 = arith.addi %scan3A_95, %scan3A_128 : i32
          %mul3A_130 = arith.constant 16 : i32
          %mul3A_131 = arith.muli %scan3A_129, %mul3A_130 : i32
          %get3A_132 = arith.index_cast %scan3A_85 : i32 to index
          %get3A_133 = arith.index_cast %mul3A_131 : i32 to index
          %get3A_134 = tpu.vector_load %arg5[%get3A_132, %get3A_133] {strides = array<i32>} : memref<48x512xf32, #tpu.memory_space<vmem>>, vector<1x16xf32>,
          %get3A_135 = vector.shape_cast %get3A_134 : vector<1x16xf32> to vector<16xf32>
          %mul3A_136 = arith.constant 16 : i32
          %mul3A_137 = arith.muli %scan3A_129, %mul3A_136 : i32
          %get3A_138 = arith.index_cast %scan3A_85 : i32 to index
          %get3A_139 = arith.index_cast %mul3A_137 : i32 to index
          %get3A_140 = tpu.vector_load %arg6[%get3A_138, %get3A_139] {strides = array<i32>} : memref<48x512xf32, #tpu.memory_space<vmem>>, vector<1x16xf32>,
          %get3A_141 = vector.shape_cast %get3A_140 : vector<1x16xf32> to vector<16xf32>
          %sub3A_142 = arith.subf %get3A_135, %get3A_141 : vector<16xf32>
          %mul3A_143 = arith.mulf %sub3A_142, %sub3A_142 : vector<16xf32>
          %add3A_144 = arith.addf %add3A_111, %mul3A_143 : vector<16xf32>
          %lt3A_145 = arith.constant 0.99609369 : f32
          %lt3A_146 = vector.broadcast %lt3A_145 : f32 to vector<16xf32>
          %lt3A_147 = arith.cmpf olt, %get3A_135, %lt3A_146 : vector<16xf32>
          %jit3A_148 = arith.constant 1.000000e+00 : f32
          %jit3A_149 = arith.constant 0.000000e+00 : f32
          %broadcast_in_dim3A_150 = vector.broadcast %jit3A_148 : f32 to vector<16xf32>
          %broadcast_in_dim3A_151 = vector.broadcast %jit3A_149 : f32 to vector<16xf32>
          %select_n3A_152 = arith.select %lt3A_147, %broadcast_in_dim3A_150, %broadcast_in_dim3A_151 : vector<16xi1>, vector<16xf32>
          %add3A_153 = arith.addf %add3A_118, %select_n3A_152 : vector<16xf32>
          %lt3A_154 = arith.constant 0.99609369 : f32
          %lt3A_155 = vector.broadcast %lt3A_154 : f32 to vector<16xf32>
          %lt3A_156 = arith.cmpf olt, %get3A_141, %lt3A_155 : vector<16xf32>
          %jit3A_157 = arith.constant 1.000000e+00 : f32
          %jit3A_158 = arith.constant 0.000000e+00 : f32
          %broadcast_in_dim3A_159 = vector.broadcast %jit3A_157 : f32 to vector<16xf32>
          %broadcast_in_dim3A_160 = vector.broadcast %jit3A_158 : f32 to vector<16xf32>
          %select_n3A_161 = arith.select %lt3A_156, %broadcast_in_dim3A_159, %broadcast_in_dim3A_160 : vector<16xi1>, vector<16xf32>
          %add3A_162 = arith.addf %add3A_127, %select_n3A_161 : vector<16xf32>
          %scan3A_163 = arith.constant 2 : i32
          %scan3A_164 = arith.addi %scan3A_95, %scan3A_163 : i32
          %mul3A_165 = arith.constant 16 : i32
          %mul3A_166 = arith.muli %scan3A_164, %mul3A_165 : i32
          %get3A_167 = arith.index_cast %scan3A_85 : i32 to index
          %get3A_168 = arith.index_cast %mul3A_166 : i32 to index
          %get3A_169 = tpu.vector_load %arg5[%get3A_167, %get3A_168] {strides = array<i32>} : memref<48x512xf32, #tpu.memory_space<vmem>>, vector<1x16xf32>,
          %get3A_170 = vector.shape_cast %get3A_169 : vector<1x16xf32> to vector<16xf32>
          %mul3A_171 = arith.constant 16 : i32
          %mul3A_172 = arith.muli %scan3A_164, %mul3A_171 : i32
          %get3A_173 = arith.index_cast %scan3A_85 : i32 to index
          %get3A_174 = arith.index_cast %mul3A_172 : i32 to index
          %get3A_175 = tpu.vector_load %arg6[%get3A_173, %get3A_174] {strides = array<i32>} : memref<48x512xf32, #tpu.memory_space<vmem>>, vector<1x16xf32>,
          %get3A_176 = vector.shape_cast %get3A_175 : vector<1x16xf32> to vector<16xf32>
          %sub3A_177 = arith.subf %get3A_170, %get3A_176 : vector<16xf32>
          %mul3A_178 = arith.mulf %sub3A_177, %sub3A_177 : vector<16xf32>
          %add3A_179 = arith.addf %add3A_144, %mul3A_178 : vector<16xf32>
          %lt3A_180 = arith.constant 0.99609369 : f32
          %lt3A_181 = vector.broadcast %lt3A_180 : f32 to vector<16xf32>
          %lt3A_182 = arith.cmpf olt, %get3A_170, %lt3A_181 : vector<16xf32>
          %jit3A_183 = arith.constant 1.000000e+00 : f32
          %jit3A_184 = arith.constant 0.000000e+00 : f32
          %broadcast_in_dim3A_185 = vector.broadcast %jit3A_183 : f32 to vector<16xf32>
          %broadcast_in_dim3A_186 = vector.broadcast %jit3A_184 : f32 to vector<16xf32>
          %select_n3A_187 = arith.select %lt3A_182, %broadcast_in_dim3A_185, %broadcast_in_dim3A_186 : vector<16xi1>, vector<16xf32>
          %add3A_188 = arith.addf %add3A_153, %select_n3A_187 : vector<16xf32>
          %lt3A_189 = arith.constant 0.99609369 : f32
          %lt3A_190 = vector.broadcast %lt3A_189 : f32 to vector<16xf32>
          %lt3A_191 = arith.cmpf olt, %get3A_176, %lt3A_190 : vector<16xf32>
          %jit3A_192 = arith.constant 1.000000e+00 : f32
          %jit3A_193 = arith.constant 0.000000e+00 : f32
          %broadcast_in_dim3A_194 = vector.broadcast %jit3A_192 : f32 to vector<16xf32>
          %broadcast_in_dim3A_195 = vector.broadcast %jit3A_193 : f32 to vector<16xf32>
          %select_n3A_196 = arith.select %lt3A_191, %broadcast_in_dim3A_194, %broadcast_in_dim3A_195 : vector<16xi1>, vector<16xf32>
          %add3A_197 = arith.addf %add3A_162, %select_n3A_196 : vector<16xf32>
          %scan3A_198 = arith.constant 3 : i32
          %scan3A_199 = arith.addi %scan3A_95, %scan3A_198 : i32
          %mul3A_200 = arith.constant 16 : i32
          %mul3A_201 = arith.muli %scan3A_199, %mul3A_200 : i32
          %get3A_202 = arith.index_cast %scan3A_85 : i32 to index
          %get3A_203 = arith.index_cast %mul3A_201 : i32 to index
          %get3A_204 = tpu.vector_load %arg5[%get3A_202, %get3A_203] {strides = array<i32>} : memref<48x512xf32, #tpu.memory_space<vmem>>, vector<1x16xf32>,
          %get3A_205 = vector.shape_cast %get3A_204 : vector<1x16xf32> to vector<16xf32>
          %mul3A_206 = arith.constant 16 : i32
          %mul3A_207 = arith.muli %scan3A_199, %mul3A_206 : i32
          %get3A_208 = arith.index_cast %scan3A_85 : i32 to index
          %get3A_209 = arith.index_cast %mul3A_207 : i32 to index
          %get3A_210 = tpu.vector_load %arg6[%get3A_208, %get3A_209] {strides = array<i32>} : memref<48x512xf32, #tpu.memory_space<vmem>>, vector<1x16xf32>,
          %get3A_211 = vector.shape_cast %get3A_210 : vector<1x16xf32> to vector<16xf32>
          %sub3A_212 = arith.subf %get3A_205, %get3A_211 : vector<16xf32>
          %mul3A_213 = arith.mulf %sub3A_212, %sub3A_212 : vector<16xf32>
          %add3A_214 = arith.addf %add3A_179, %mul3A_213 : vector<16xf32>
          %lt3A_215 = arith.constant 0.99609369 : f32
          %lt3A_216 = vector.broadcast %lt3A_215 : f32 to vector<16xf32>
          %lt3A_217 = arith.cmpf olt, %get3A_205, %lt3A_216 : vector<16xf32>
          %jit3A_218 = arith.constant 1.000000e+00 : f32
          %jit3A_219 = arith.constant 0.000000e+00 : f32
          %broadcast_in_dim3A_220 = vector.broadcast %jit3A_218 : f32 to vector<16xf32>
          %broadcast_in_dim3A_221 = vector.broadcast %jit3A_219 : f32 to vector<16xf32>
          %select_n3A_222 = arith.select %lt3A_217, %broadcast_in_dim3A_220, %broadcast_in_dim3A_221 : vector<16xi1>, vector<16xf32>
          %add3A_223 = arith.addf %add3A_188, %select_n3A_222 : vector<16xf32>
          %lt3A_224 = arith.constant 0.99609369 : f32
          %lt3A_225 = vector.broadcast %lt3A_224 : f32 to vector<16xf32>
          %lt3A_226 = arith.cmpf olt, %get3A_211, %lt3A_225 : vector<16xf32>
          %jit3A_227 = arith.constant 1.000000e+00 : f32
          %jit3A_228 = arith.constant 0.000000e+00 : f32
          %broadcast_in_dim3A_229 = vector.broadcast %jit3A_227 : f32 to vector<16xf32>
          %broadcast_in_dim3A_230 = vector.broadcast %jit3A_228 : f32 to vector<16xf32>
          %select_n3A_231 = arith.select %lt3A_226, %broadcast_in_dim3A_229, %broadcast_in_dim3A_230 : vector<16xi1>, vector<16xf32>
          %add3A_232 = arith.addf %add3A_197, %select_n3A_231 : vector<16xf32>
          %scan3A_233 = arith.constant 4 : i32
          %scan3A_234 = arith.addi %scan3A_95, %scan3A_233 : i32
          %mul3A_235 = arith.constant 16 : i32
          %mul3A_236 = arith.muli %scan3A_234, %mul3A_235 : i32
          %get3A_237 = arith.index_cast %scan3A_85 : i32 to index
          %get3A_238 = arith.index_cast %mul3A_236 : i32 to index
          %get3A_239 = tpu.vector_load %arg5[%get3A_237, %get3A_238] {strides = array<i32>} : memref<48x512xf32, #tpu.memory_space<vmem>>, vector<1x16xf32>,
          %get3A_240 = vector.shape_cast %get3A_239 : vector<1x16xf32> to vector<16xf32>
          %mul3A_241 = arith.constant 16 : i32
          %mul3A_242 = arith.muli %scan3A_234, %mul3A_241 : i32
          %get3A_243 = arith.index_cast %scan3A_85 : i32 to index
          %get3A_244 = arith.index_cast %mul3A_242 : i32 to index
          %get3A_245 = tpu.vector_load %arg6[%get3A_243, %get3A_244] {strides = array<i32>} : memref<48x512xf32, #tpu.memory_space<vmem>>, vector<1x16xf32>,
          %get3A_246 = vector.shape_cast %get3A_245 : vector<1x16xf32> to vector<16xf32>
          %sub3A_247 = arith.subf %get3A_240, %get3A_246 : vector<16xf32>
          %mul3A_248 = arith.mulf %sub3A_247, %sub3A_247 : vector<16xf32>
          %add3A_249 = arith.addf %add3A_214, %mul3A_248 : vector<16xf32>
          %lt3A_250 = arith.constant 0.99609369 : f32
          %lt3A_251 = vector.broadcast %lt3A_250 : f32 to vector<16xf32>
          %lt3A_252 = arith.cmpf olt, %get3A_240, %lt3A_251 : vector<16xf32>
          %jit3A_253 = arith.constant 1.000000e+00 : f32
          %jit3A_254 = arith.constant 0.000000e+00 : f32
          %broadcast_in_dim3A_255 = vector.broadcast %jit3A_253 : f32 to vector<16xf32>
          %broadcast_in_dim3A_256 = vector.broadcast %jit3A_254 : f32 to vector<16xf32>
          %select_n3A_257 = arith.select %lt3A_252, %broadcast_in_dim3A_255, %broadcast_in_dim3A_256 : vector<16xi1>, vector<16xf32>
          %add3A_258 = arith.addf %add3A_223, %select_n3A_257 : vector<16xf32>
          %lt3A_259 = arith.constant 0.99609369 : f32
          %lt3A_260 = vector.broadcast %lt3A_259 : f32 to vector<16xf32>
          %lt3A_261 = arith.cmpf olt, %get3A_246, %lt3A_260 : vector<16xf32>
          %jit3A_262 = arith.constant 1.000000e+00 : f32
          %jit3A_263 = arith.constant 0.000000e+00 : f32
          %broadcast_in_dim3A_264 = vector.broadcast %jit3A_262 : f32 to vector<16xf32>
          %broadcast_in_dim3A_265 = vector.broadcast %jit3A_263 : f32 to vector<16xf32>
          %select_n3A_266 = arith.select %lt3A_261, %broadcast_in_dim3A_264, %broadcast_in_dim3A_265 : vector<16xi1>, vector<16xf32>
          %add3A_267 = arith.addf %add3A_232, %select_n3A_266 : vector<16xf32>
          %scan3A_268 = arith.constant 5 : i32
          %scan3A_269 = arith.addi %scan3A_95, %scan3A_268 : i32
          %mul3A_270 = arith.constant 16 : i32
          %mul3A_271 = arith.muli %scan3A_269, %mul3A_270 : i32
          %get3A_272 = arith.index_cast %scan3A_85 : i32 to index
          %get3A_273 = arith.index_cast %mul3A_271 : i32 to index
          %get3A_274 = tpu.vector_load %arg5[%get3A_272, %get3A_273] {strides = array<i32>} : memref<48x512xf32, #tpu.memory_space<vmem>>, vector<1x16xf32>,
          %get3A_275 = vector.shape_cast %get3A_274 : vector<1x16xf32> to vector<16xf32>
          %mul3A_276 = arith.constant 16 : i32
          %mul3A_277 = arith.muli %scan3A_269, %mul3A_276 : i32
          %get3A_278 = arith.index_cast %scan3A_85 : i32 to index
          %get3A_279 = arith.index_cast %mul3A_277 : i32 to index
          %get3A_280 = tpu.vector_load %arg6[%get3A_278, %get3A_279] {strides = array<i32>} : memref<48x512xf32, #tpu.memory_space<vmem>>, vector<1x16xf32>,
          %get3A_281 = vector.shape_cast %get3A_280 : vector<1x16xf32> to vector<16xf32>
          %sub3A_282 = arith.subf %get3A_275, %get3A_281 : vector<16xf32>
          %mul3A_283 = arith.mulf %sub3A_282, %sub3A_282 : vector<16xf32>
          %add3A_284 = arith.addf %add3A_249, %mul3A_283 : vector<16xf32>
          %lt3A_285 = arith.constant 0.99609369 : f32
          %lt3A_286 = vector.broadcast %lt3A_285 : f32 to vector<16xf32>
          %lt3A_287 = arith.cmpf olt, %get3A_275, %lt3A_286 : vector<16xf32>
          %jit3A_288 = arith.constant 1.000000e+00 : f32
          %jit3A_289 = arith.constant 0.000000e+00 : f32
          %broadcast_in_dim3A_290 = vector.broadcast %jit3A_288 : f32 to vector<16xf32>
          %broadcast_in_dim3A_291 = vector.broadcast %jit3A_289 : f32 to vector<16xf32>
          %select_n3A_292 = arith.select %lt3A_287, %broadcast_in_dim3A_290, %broadcast_in_dim3A_291 : vector<16xi1>, vector<16xf32>
          %add3A_293 = arith.addf %add3A_258, %select_n3A_292 : vector<16xf32>
          %lt3A_294 = arith.constant 0.99609369 : f32
          %lt3A_295 = vector.broadcast %lt3A_294 : f32 to vector<16xf32>
          %lt3A_296 = arith.cmpf olt, %get3A_281, %lt3A_295 : vector<16xf32>
          %jit3A_297 = arith.constant 1.000000e+00 : f32
          %jit3A_298 = arith.constant 0.000000e+00 : f32
          %broadcast_in_dim3A_299 = vector.broadcast %jit3A_297 : f32 to vector<16xf32>
          %broadcast_in_dim3A_300 = vector.broadcast %jit3A_298 : f32 to vector<16xf32>
          %select_n3A_301 = arith.select %lt3A_296, %broadcast_in_dim3A_299, %broadcast_in_dim3A_300 : vector<16xi1>, vector<16xf32>
          %add3A_302 = arith.addf %add3A_267, %select_n3A_301 : vector<16xf32>
          %scan3A_303 = arith.constant 6 : i32
          %scan3A_304 = arith.addi %scan3A_95, %scan3A_303 : i32
          %mul3A_305 = arith.constant 16 : i32
          %mul3A_306 = arith.muli %scan3A_304, %mul3A_305 : i32
          %get3A_307 = arith.index_cast %scan3A_85 : i32 to index
          %get3A_308 = arith.index_cast %mul3A_306 : i32 to index
          %get3A_309 = tpu.vector_load %arg5[%get3A_307, %get3A_308] {strides = array<i32>} : memref<48x512xf32, #tpu.memory_space<vmem>>, vector<1x16xf32>,
          %get3A_310 = vector.shape_cast %get3A_309 : vector<1x16xf32> to vector<16xf32>
          %mul3A_311 = arith.constant 16 : i32
          %mul3A_312 = arith.muli %scan3A_304, %mul3A_311 : i32
          %get3A_313 = arith.index_cast %scan3A_85 : i32 to index
          %get3A_314 = arith.index_cast %mul3A_312 : i32 to index
          %get3A_315 = tpu.vector_load %arg6[%get3A_313, %get3A_314] {strides = array<i32>} : memref<48x512xf32, #tpu.memory_space<vmem>>, vector<1x16xf32>,
          %get3A_316 = vector.shape_cast %get3A_315 : vector<1x16xf32> to vector<16xf32>
          %sub3A_317 = arith.subf %get3A_310, %get3A_316 : vector<16xf32>
          %mul3A_318 = arith.mulf %sub3A_317, %sub3A_317 : vector<16xf32>
          %add3A_319 = arith.addf %add3A_284, %mul3A_318 : vector<16xf32>
          %lt3A_320 = arith.constant 0.99609369 : f32
          %lt3A_321 = vector.broadcast %lt3A_320 : f32 to vector<16xf32>
          %lt3A_322 = arith.cmpf olt, %get3A_310, %lt3A_321 : vector<16xf32>
          %jit3A_323 = arith.constant 1.000000e+00 : f32
          %jit3A_324 = arith.constant 0.000000e+00 : f32
          %broadcast_in_dim3A_325 = vector.broadcast %jit3A_323 : f32 to vector<16xf32>
          %broadcast_in_dim3A_326 = vector.broadcast %jit3A_324 : f32 to vector<16xf32>
          %select_n3A_327 = arith.select %lt3A_322, %broadcast_in_dim3A_325, %broadcast_in_dim3A_326 : vector<16xi1>, vector<16xf32>
          %add3A_328 = arith.addf %add3A_293, %select_n3A_327 : vector<16xf32>
          %lt3A_329 = arith.constant 0.99609369 : f32
          %lt3A_330 = vector.broadcast %lt3A_329 : f32 to vector<16xf32>
          %lt3A_331 = arith.cmpf olt, %get3A_316, %lt3A_330 : vector<16xf32>
          %jit3A_332 = arith.constant 1.000000e+00 : f32
          %jit3A_333 = arith.constant 0.000000e+00 : f32
          %broadcast_in_dim3A_334 = vector.broadcast %jit3A_332 : f32 to vector<16xf32>
          %broadcast_in_dim3A_335 = vector.broadcast %jit3A_333 : f32 to vector<16xf32>
          %select_n3A_336 = arith.select %lt3A_331, %broadcast_in_dim3A_334, %broadcast_in_dim3A_335 : vector<16xi1>, vector<16xf32>
          %add3A_337 = arith.addf %add3A_302, %select_n3A_336 : vector<16xf32>
          %scan3A_338 = arith.constant 7 : i32
          %scan3A_339 = arith.addi %scan3A_95, %scan3A_338 : i32
          %mul3A_340 = arith.constant 16 : i32
          %mul3A_341 = arith.muli %scan3A_339, %mul3A_340 : i32
          %get3A_342 = arith.index_cast %scan3A_85 : i32 to index
          %get3A_343 = arith.index_cast %mul3A_341 : i32 to index
          %get3A_344 = tpu.vector_load %arg5[%get3A_342, %get3A_343] {strides = array<i32>} : memref<48x512xf32, #tpu.memory_space<vmem>>, vector<1x16xf32>,
          %get3A_345 = vector.shape_cast %get3A_344 : vector<1x16xf32> to vector<16xf32>
          %mul3A_346 = arith.constant 16 : i32
          %mul3A_347 = arith.muli %scan3A_339, %mul3A_346 : i32
          %get3A_348 = arith.index_cast %scan3A_85 : i32 to index
          %get3A_349 = arith.index_cast %mul3A_347 : i32 to index
          %get3A_350 = tpu.vector_load %arg6[%get3A_348, %get3A_349] {strides = array<i32>} : memref<48x512xf32, #tpu.memory_space<vmem>>, vector<1x16xf32>,
          %get3A_351 = vector.shape_cast %get3A_350 : vector<1x16xf32> to vector<16xf32>
          %sub3A_352 = arith.subf %get3A_345, %get3A_351 : vector<16xf32>
          %mul3A_353 = arith.mulf %sub3A_352, %sub3A_352 : vector<16xf32>
          %add3A_354 = arith.addf %add3A_319, %mul3A_353 : vector<16xf32>
          %lt3A_355 = arith.constant 0.99609369 : f32
          %lt3A_356 = vector.broadcast %lt3A_355 : f32 to vector<16xf32>
          %lt3A_357 = arith.cmpf olt, %get3A_345, %lt3A_356 : vector<16xf32>
          %jit3A_358 = arith.constant 1.000000e+00 : f32
          %jit3A_359 = arith.constant 0.000000e+00 : f32
          %broadcast_in_dim3A_360 = vector.broadcast %jit3A_358 : f32 to vector<16xf32>
          %broadcast_in_dim3A_361 = vector.broadcast %jit3A_359 : f32 to vector<16xf32>
          %select_n3A_362 = arith.select %lt3A_357, %broadcast_in_dim3A_360, %broadcast_in_dim3A_361 : vector<16xi1>, vector<16xf32>
          %add3A_363 = arith.addf %add3A_328, %select_n3A_362 : vector<16xf32>
          %lt3A_364 = arith.constant 0.99609369 : f32
          %lt3A_365 = vector.broadcast %lt3A_364 : f32 to vector<16xf32>
          %lt3A_366 = arith.cmpf olt, %get3A_351, %lt3A_365 : vector<16xf32>
          %jit3A_367 = arith.constant 1.000000e+00 : f32
          %jit3A_368 = arith.constant 0.000000e+00 : f32
          %broadcast_in_dim3A_369 = vector.broadcast %jit3A_367 : f32 to vector<16xf32>
          %broadcast_in_dim3A_370 = vector.broadcast %jit3A_368 : f32 to vector<16xf32>
          %select_n3A_371 = arith.select %lt3A_366, %broadcast_in_dim3A_369, %broadcast_in_dim3A_370 : vector<16xi1>, vector<16xf32>
          %add3A_372 = arith.addf %add3A_337, %select_n3A_371 : vector<16xf32>
          %scan3A_373 = arith.constant 8 : i32
          %scan3A_374 = arith.addi %scan3A_95, %scan3A_373 : i32
          %mul3A_375 = arith.constant 16 : i32
          %mul3A_376 = arith.muli %scan3A_374, %mul3A_375 : i32
          %get3A_377 = arith.index_cast %scan3A_85 : i32 to index
          %get3A_378 = arith.index_cast %mul3A_376 : i32 to index
          %get3A_379 = tpu.vector_load %arg5[%get3A_377, %get3A_378] {strides = array<i32>} : memref<48x512xf32, #tpu.memory_space<vmem>>, vector<1x16xf32>,
          %get3A_380 = vector.shape_cast %get3A_379 : vector<1x16xf32> to vector<16xf32>
          %mul3A_381 = arith.constant 16 : i32
          %mul3A_382 = arith.muli %scan3A_374, %mul3A_381 : i32
          %get3A_383 = arith.index_cast %scan3A_85 : i32 to index
          %get3A_384 = arith.index_cast %mul3A_382 : i32 to index
          %get3A_385 = tpu.vector_load %arg6[%get3A_383, %get3A_384] {strides = array<i32>} : memref<48x512xf32, #tpu.memory_space<vmem>>, vector<1x16xf32>,
          %get3A_386 = vector.shape_cast %get3A_385 : vector<1x16xf32> to vector<16xf32>
          %sub3A_387 = arith.subf %get3A_380, %get3A_386 : vector<16xf32>
          %mul3A_388 = arith.mulf %sub3A_387, %sub3A_387 : vector<16xf32>
          %add3A_389 = arith.addf %add3A_354, %mul3A_388 : vector<16xf32>
          %lt3A_390 = arith.constant 0.99609369 : f32
          %lt3A_391 = vector.broadcast %lt3A_390 : f32 to vector<16xf32>
          %lt3A_392 = arith.cmpf olt, %get3A_380, %lt3A_391 : vector<16xf32>
          %jit3A_393 = arith.constant 1.000000e+00 : f32
          %jit3A_394 = arith.constant 0.000000e+00 : f32
          %broadcast_in_dim3A_395 = vector.broadcast %jit3A_393 : f32 to vector<16xf32>
          %broadcast_in_dim3A_396 = vector.broadcast %jit3A_394 : f32 to vector<16xf32>
          %select_n3A_397 = arith.select %lt3A_392, %broadcast_in_dim3A_395, %broadcast_in_dim3A_396 : vector<16xi1>, vector<16xf32>
          %add3A_398 = arith.addf %add3A_363, %select_n3A_397 : vector<16xf32>
          %lt3A_399 = arith.constant 0.99609369 : f32
          %lt3A_400 = vector.broadcast %lt3A_399 : f32 to vector<16xf32>
          %lt3A_401 = arith.cmpf olt, %get3A_386, %lt3A_400 : vector<16xf32>
          %jit3A_402 = arith.constant 1.000000e+00 : f32
          %jit3A_403 = arith.constant 0.000000e+00 : f32
          %broadcast_in_dim3A_404 = vector.broadcast %jit3A_402 : f32 to vector<16xf32>
          %broadcast_in_dim3A_405 = vector.broadcast %jit3A_403 : f32 to vector<16xf32>
          %select_n3A_406 = arith.select %lt3A_401, %broadcast_in_dim3A_404, %broadcast_in_dim3A_405 : vector<16xi1>, vector<16xf32>
          %add3A_407 = arith.addf %add3A_372, %select_n3A_406 : vector<16xf32>
          %scan3A_408 = arith.constant 9 : i32
          %scan3A_409 = arith.addi %scan3A_95, %scan3A_408 : i32
          %mul3A_410 = arith.constant 16 : i32
          %mul3A_411 = arith.muli %scan3A_409, %mul3A_410 : i32
          %get3A_412 = arith.index_cast %scan3A_85 : i32 to index
          %get3A_413 = arith.index_cast %mul3A_411 : i32 to index
          %get3A_414 = tpu.vector_load %arg5[%get3A_412, %get3A_413] {strides = array<i32>} : memref<48x512xf32, #tpu.memory_space<vmem>>, vector<1x16xf32>,
          %get3A_415 = vector.shape_cast %get3A_414 : vector<1x16xf32> to vector<16xf32>
          %mul3A_416 = arith.constant 16 : i32
          %mul3A_417 = arith.muli %scan3A_409, %mul3A_416 : i32
          %get3A_418 = arith.index_cast %scan3A_85 : i32 to index
          %get3A_419 = arith.index_cast %mul3A_417 : i32 to index
          %get3A_420 = tpu.vector_load %arg6[%get3A_418, %get3A_419] {strides = array<i32>} : memref<48x512xf32, #tpu.memory_space<vmem>>, vector<1x16xf32>,
          %get3A_421 = vector.shape_cast %get3A_420 : vector<1x16xf32> to vector<16xf32>
          %sub3A_422 = arith.subf %get3A_415, %get3A_421 : vector<16xf32>
          %mul3A_423 = arith.mulf %sub3A_422, %sub3A_422 : vector<16xf32>
          %add3A_424 = arith.addf %add3A_389, %mul3A_423 : vector<16xf32>
          %lt3A_425 = arith.constant 0.99609369 : f32
          %lt3A_426 = vector.broadcast %lt3A_425 : f32 to vector<16xf32>
          %lt3A_427 = arith.cmpf olt, %get3A_415, %lt3A_426 : vector<16xf32>
          %jit3A_428 = arith.constant 1.000000e+00 : f32
          %jit3A_429 = arith.constant 0.000000e+00 : f32
          %broadcast_in_dim3A_430 = vector.broadcast %jit3A_428 : f32 to vector<16xf32>
          %broadcast_in_dim3A_431 = vector.broadcast %jit3A_429 : f32 to vector<16xf32>
          %select_n3A_432 = arith.select %lt3A_427, %broadcast_in_dim3A_430, %broadcast_in_dim3A_431 : vector<16xi1>, vector<16xf32>
          %add3A_433 = arith.addf %add3A_398, %select_n3A_432 : vector<16xf32>
          %lt3A_434 = arith.constant 0.99609369 : f32
          %lt3A_435 = vector.broadcast %lt3A_434 : f32 to vector<16xf32>
          %lt3A_436 = arith.cmpf olt, %get3A_421, %lt3A_435 : vector<16xf32>
          %jit3A_437 = arith.constant 1.000000e+00 : f32
          %jit3A_438 = arith.constant 0.000000e+00 : f32
          %broadcast_in_dim3A_439 = vector.broadcast %jit3A_437 : f32 to vector<16xf32>
          %broadcast_in_dim3A_440 = vector.broadcast %jit3A_438 : f32 to vector<16xf32>
          %select_n3A_441 = arith.select %lt3A_436, %broadcast_in_dim3A_439, %broadcast_in_dim3A_440 : vector<16xi1>, vector<16xf32>
          %add3A_442 = arith.addf %add3A_407, %select_n3A_441 : vector<16xf32>
          %scan3A_443 = arith.constant 10 : i32
          %scan3A_444 = arith.addi %scan3A_95, %scan3A_443 : i32
          %mul3A_445 = arith.constant 16 : i32
          %mul3A_446 = arith.muli %scan3A_444, %mul3A_445 : i32
          %get3A_447 = arith.index_cast %scan3A_85 : i32 to index
          %get3A_448 = arith.index_cast %mul3A_446 : i32 to index
          %get3A_449 = tpu.vector_load %arg5[%get3A_447, %get3A_448] {strides = array<i32>} : memref<48x512xf32, #tpu.memory_space<vmem>>, vector<1x16xf32>,
          %get3A_450 = vector.shape_cast %get3A_449 : vector<1x16xf32> to vector<16xf32>
          %mul3A_451 = arith.constant 16 : i32
          %mul3A_452 = arith.muli %scan3A_444, %mul3A_451 : i32
          %get3A_453 = arith.index_cast %scan3A_85 : i32 to index
          %get3A_454 = arith.index_cast %mul3A_452 : i32 to index
          %get3A_455 = tpu.vector_load %arg6[%get3A_453, %get3A_454] {strides = array<i32>} : memref<48x512xf32, #tpu.memory_space<vmem>>, vector<1x16xf32>,
          %get3A_456 = vector.shape_cast %get3A_455 : vector<1x16xf32> to vector<16xf32>
          %sub3A_457 = arith.subf %get3A_450, %get3A_456 : vector<16xf32>
          %mul3A_458 = arith.mulf %sub3A_457, %sub3A_457 : vector<16xf32>
          %add3A_459 = arith.addf %add3A_424, %mul3A_458 : vector<16xf32>
          %lt3A_460 = arith.constant 0.99609369 : f32
          %lt3A_461 = vector.broadcast %lt3A_460 : f32 to vector<16xf32>
          %lt3A_462 = arith.cmpf olt, %get3A_450, %lt3A_461 : vector<16xf32>
          %jit3A_463 = arith.constant 1.000000e+00 : f32
          %jit3A_464 = arith.constant 0.000000e+00 : f32
          %broadcast_in_dim3A_465 = vector.broadcast %jit3A_463 : f32 to vector<16xf32>
          %broadcast_in_dim3A_466 = vector.broadcast %jit3A_464 : f32 to vector<16xf32>
          %select_n3A_467 = arith.select %lt3A_462, %broadcast_in_dim3A_465, %broadcast_in_dim3A_466 : vector<16xi1>, vector<16xf32>
          %add3A_468 = arith.addf %add3A_433, %select_n3A_467 : vector<16xf32>
          %lt3A_469 = arith.constant 0.99609369 : f32
          %lt3A_470 = vector.broadcast %lt3A_469 : f32 to vector<16xf32>
          %lt3A_471 = arith.cmpf olt, %get3A_456, %lt3A_470 : vector<16xf32>
          %jit3A_472 = arith.constant 1.000000e+00 : f32
          %jit3A_473 = arith.constant 0.000000e+00 : f32
          %broadcast_in_dim3A_474 = vector.broadcast %jit3A_472 : f32 to vector<16xf32>
          %broadcast_in_dim3A_475 = vector.broadcast %jit3A_473 : f32 to vector<16xf32>
          %select_n3A_476 = arith.select %lt3A_471, %broadcast_in_dim3A_474, %broadcast_in_dim3A_475 : vector<16xi1>, vector<16xf32>
          %add3A_477 = arith.addf %add3A_442, %select_n3A_476 : vector<16xf32>
          %scan3A_478 = arith.constant 11 : i32
          %scan3A_479 = arith.addi %scan3A_95, %scan3A_478 : i32
          %mul3A_480 = arith.constant 16 : i32
          %mul3A_481 = arith.muli %scan3A_479, %mul3A_480 : i32
          %get3A_482 = arith.index_cast %scan3A_85 : i32 to index
          %get3A_483 = arith.index_cast %mul3A_481 : i32 to index
          %get3A_484 = tpu.vector_load %arg5[%get3A_482, %get3A_483] {strides = array<i32>} : memref<48x512xf32, #tpu.memory_space<vmem>>, vector<1x16xf32>,
          %get3A_485 = vector.shape_cast %get3A_484 : vector<1x16xf32> to vector<16xf32>
          %mul3A_486 = arith.constant 16 : i32
          %mul3A_487 = arith.muli %scan3A_479, %mul3A_486 : i32
          %get3A_488 = arith.index_cast %scan3A_85 : i32 to index
          %get3A_489 = arith.index_cast %mul3A_487 : i32 to index
          %get3A_490 = tpu.vector_load %arg6[%get3A_488, %get3A_489] {strides = array<i32>} : memref<48x512xf32, #tpu.memory_space<vmem>>, vector<1x16xf32>,
          %get3A_491 = vector.shape_cast %get3A_490 : vector<1x16xf32> to vector<16xf32>
          %sub3A_492 = arith.subf %get3A_485, %get3A_491 : vector<16xf32>
          %mul3A_493 = arith.mulf %sub3A_492, %sub3A_492 : vector<16xf32>
          %add3A_494 = arith.addf %add3A_459, %mul3A_493 : vector<16xf32>
          %lt3A_495 = arith.constant 0.99609369 : f32
          %lt3A_496 = vector.broadcast %lt3A_495 : f32 to vector<16xf32>
          %lt3A_497 = arith.cmpf olt, %get3A_485, %lt3A_496 : vector<16xf32>
          %jit3A_498 = arith.constant 1.000000e+00 : f32
          %jit3A_499 = arith.constant 0.000000e+00 : f32
          %broadcast_in_dim3A_500 = vector.broadcast %jit3A_498 : f32 to vector<16xf32>
          %broadcast_in_dim3A_501 = vector.broadcast %jit3A_499 : f32 to vector<16xf32>
          %select_n3A_502 = arith.select %lt3A_497, %broadcast_in_dim3A_500, %broadcast_in_dim3A_501 : vector<16xi1>, vector<16xf32>
          %add3A_503 = arith.addf %add3A_468, %select_n3A_502 : vector<16xf32>
          %lt3A_504 = arith.constant 0.99609369 : f32
          %lt3A_505 = vector.broadcast %lt3A_504 : f32 to vector<16xf32>
          %lt3A_506 = arith.cmpf olt, %get3A_491, %lt3A_505 : vector<16xf32>
          %jit3A_507 = arith.constant 1.000000e+00 : f32
          %jit3A_508 = arith.constant 0.000000e+00 : f32
          %broadcast_in_dim3A_509 = vector.broadcast %jit3A_507 : f32 to vector<16xf32>
          %broadcast_in_dim3A_510 = vector.broadcast %jit3A_508 : f32 to vector<16xf32>
          %select_n3A_511 = arith.select %lt3A_506, %broadcast_in_dim3A_509, %broadcast_in_dim3A_510 : vector<16xi1>, vector<16xf32>
          %add3A_512 = arith.addf %add3A_477, %select_n3A_511 : vector<16xf32>
          %scan3A_513 = arith.constant 12 : i32
          %scan3A_514 = arith.addi %scan3A_95, %scan3A_513 : i32
          %mul3A_515 = arith.constant 16 : i32
          %mul3A_516 = arith.muli %scan3A_514, %mul3A_515 : i32
          %get3A_517 = arith.index_cast %scan3A_85 : i32 to index
          %get3A_518 = arith.index_cast %mul3A_516 : i32 to index
          %get3A_519 = tpu.vector_load %arg5[%get3A_517, %get3A_518] {strides = array<i32>} : memref<48x512xf32, #tpu.memory_space<vmem>>, vector<1x16xf32>,
          %get3A_520 = vector.shape_cast %get3A_519 : vector<1x16xf32> to vector<16xf32>
          %mul3A_521 = arith.constant 16 : i32
          %mul3A_522 = arith.muli %scan3A_514, %mul3A_521 : i32
          %get3A_523 = arith.index_cast %scan3A_85 : i32 to index
          %get3A_524 = arith.index_cast %mul3A_522 : i32 to index
          %get3A_525 = tpu.vector_load %arg6[%get3A_523, %get3A_524] {strides = array<i32>} : memref<48x512xf32, #tpu.memory_space<vmem>>, vector<1x16xf32>,
          %get3A_526 = vector.shape_cast %get3A_525 : vector<1x16xf32> to vector<16xf32>
          %sub3A_527 = arith.subf %get3A_520, %get3A_526 : vector<16xf32>
          %mul3A_528 = arith.mulf %sub3A_527, %sub3A_527 : vector<16xf32>
          %add3A_529 = arith.addf %add3A_494, %mul3A_528 : vector<16xf32>
          %lt3A_530 = arith.constant 0.99609369 : f32
          %lt3A_531 = vector.broadcast %lt3A_530 : f32 to vector<16xf32>
          %lt3A_532 = arith.cmpf olt, %get3A_520, %lt3A_531 : vector<16xf32>
          %jit3A_533 = arith.constant 1.000000e+00 : f32
          %jit3A_534 = arith.constant 0.000000e+00 : f32
          %broadcast_in_dim3A_535 = vector.broadcast %jit3A_533 : f32 to vector<16xf32>
          %broadcast_in_dim3A_536 = vector.broadcast %jit3A_534 : f32 to vector<16xf32>
          %select_n3A_537 = arith.select %lt3A_532, %broadcast_in_dim3A_535, %broadcast_in_dim3A_536 : vector<16xi1>, vector<16xf32>
          %add3A_538 = arith.addf %add3A_503, %select_n3A_537 : vector<16xf32>
          %lt3A_539 = arith.constant 0.99609369 : f32
          %lt3A_540 = vector.broadcast %lt3A_539 : f32 to vector<16xf32>
          %lt3A_541 = arith.cmpf olt, %get3A_526, %lt3A_540 : vector<16xf32>
          %jit3A_542 = arith.constant 1.000000e+00 : f32
          %jit3A_543 = arith.constant 0.000000e+00 : f32
          %broadcast_in_dim3A_544 = vector.broadcast %jit3A_542 : f32 to vector<16xf32>
          %broadcast_in_dim3A_545 = vector.broadcast %jit3A_543 : f32 to vector<16xf32>
          %select_n3A_546 = arith.select %lt3A_541, %broadcast_in_dim3A_544, %broadcast_in_dim3A_545 : vector<16xi1>, vector<16xf32>
          %add3A_547 = arith.addf %add3A_512, %select_n3A_546 : vector<16xf32>
          %scan3A_548 = arith.constant 13 : i32
          %scan3A_549 = arith.addi %scan3A_95, %scan3A_548 : i32
          %mul3A_550 = arith.constant 16 : i32
          %mul3A_551 = arith.muli %scan3A_549, %mul3A_550 : i32
          %get3A_552 = arith.index_cast %scan3A_85 : i32 to index
          %get3A_553 = arith.index_cast %mul3A_551 : i32 to index
          %get3A_554 = tpu.vector_load %arg5[%get3A_552, %get3A_553] {strides = array<i32>} : memref<48x512xf32, #tpu.memory_space<vmem>>, vector<1x16xf32>,
          %get3A_555 = vector.shape_cast %get3A_554 : vector<1x16xf32> to vector<16xf32>
          %mul3A_556 = arith.constant 16 : i32
          %mul3A_557 = arith.muli %scan3A_549, %mul3A_556 : i32
          %get3A_558 = arith.index_cast %scan3A_85 : i32 to index
          %get3A_559 = arith.index_cast %mul3A_557 : i32 to index
          %get3A_560 = tpu.vector_load %arg6[%get3A_558, %get3A_559] {strides = array<i32>} : memref<48x512xf32, #tpu.memory_space<vmem>>, vector<1x16xf32>,
          %get3A_561 = vector.shape_cast %get3A_560 : vector<1x16xf32> to vector<16xf32>
          %sub3A_562 = arith.subf %get3A_555, %get3A_561 : vector<16xf32>
          %mul3A_563 = arith.mulf %sub3A_562, %sub3A_562 : vector<16xf32>
          %add3A_564 = arith.addf %add3A_529, %mul3A_563 : vector<16xf32>
          %lt3A_565 = arith.constant 0.99609369 : f32
          %lt3A_566 = vector.broadcast %lt3A_565 : f32 to vector<16xf32>
          %lt3A_567 = arith.cmpf olt, %get3A_555, %lt3A_566 : vector<16xf32>
          %jit3A_568 = arith.constant 1.000000e+00 : f32
          %jit3A_569 = arith.constant 0.000000e+00 : f32
          %broadcast_in_dim3A_570 = vector.broadcast %jit3A_568 : f32 to vector<16xf32>
          %broadcast_in_dim3A_571 = vector.broadcast %jit3A_569 : f32 to vector<16xf32>
          %select_n3A_572 = arith.select %lt3A_567, %broadcast_in_dim3A_570, %broadcast_in_dim3A_571 : vector<16xi1>, vector<16xf32>
          %add3A_573 = arith.addf %add3A_538, %select_n3A_572 : vector<16xf32>
          %lt3A_574 = arith.constant 0.99609369 : f32
          %lt3A_575 = vector.broadcast %lt3A_574 : f32 to vector<16xf32>
          %lt3A_576 = arith.cmpf olt, %get3A_561, %lt3A_575 : vector<16xf32>
          %jit3A_577 = arith.constant 1.000000e+00 : f32
          %jit3A_578 = arith.constant 0.000000e+00 : f32
          %broadcast_in_dim3A_579 = vector.broadcast %jit3A_577 : f32 to vector<16xf32>
          %broadcast_in_dim3A_580 = vector.broadcast %jit3A_578 : f32 to vector<16xf32>
          %select_n3A_581 = arith.select %lt3A_576, %broadcast_in_dim3A_579, %broadcast_in_dim3A_580 : vector<16xi1>, vector<16xf32>
          %add3A_582 = arith.addf %add3A_547, %select_n3A_581 : vector<16xf32>
          %scan3A_583 = arith.constant 14 : i32
          %scan3A_584 = arith.addi %scan3A_95, %scan3A_583 : i32
          %mul3A_585 = arith.constant 16 : i32
          %mul3A_586 = arith.muli %scan3A_584, %mul3A_585 : i32
          %get3A_587 = arith.index_cast %scan3A_85 : i32 to index
          %get3A_588 = arith.index_cast %mul3A_586 : i32 to index
          %get3A_589 = tpu.vector_load %arg5[%get3A_587, %get3A_588] {strides = array<i32>} : memref<48x512xf32, #tpu.memory_space<vmem>>, vector<1x16xf32>,
          %get3A_590 = vector.shape_cast %get3A_589 : vector<1x16xf32> to vector<16xf32>
          %mul3A_591 = arith.constant 16 : i32
          %mul3A_592 = arith.muli %scan3A_584, %mul3A_591 : i32
          %get3A_593 = arith.index_cast %scan3A_85 : i32 to index
          %get3A_594 = arith.index_cast %mul3A_592 : i32 to index
          %get3A_595 = tpu.vector_load %arg6[%get3A_593, %get3A_594] {strides = array<i32>} : memref<48x512xf32, #tpu.memory_space<vmem>>, vector<1x16xf32>,
          %get3A_596 = vector.shape_cast %get3A_595 : vector<1x16xf32> to vector<16xf32>
          %sub3A_597 = arith.subf %get3A_590, %get3A_596 : vector<16xf32>
          %mul3A_598 = arith.mulf %sub3A_597, %sub3A_597 : vector<16xf32>
          %add3A_599 = arith.addf %add3A_564, %mul3A_598 : vector<16xf32>
          %lt3A_600 = arith.constant 0.99609369 : f32
          %lt3A_601 = vector.broadcast %lt3A_600 : f32 to vector<16xf32>
          %lt3A_602 = arith.cmpf olt, %get3A_590, %lt3A_601 : vector<16xf32>
          %jit3A_603 = arith.constant 1.000000e+00 : f32
          %jit3A_604 = arith.constant 0.000000e+00 : f32
          %broadcast_in_dim3A_605 = vector.broadcast %jit3A_603 : f32 to vector<16xf32>
          %broadcast_in_dim3A_606 = vector.broadcast %jit3A_604 : f32 to vector<16xf32>
          %select_n3A_607 = arith.select %lt3A_602, %broadcast_in_dim3A_605, %broadcast_in_dim3A_606 : vector<16xi1>, vector<16xf32>
          %add3A_608 = arith.addf %add3A_573, %select_n3A_607 : vector<16xf32>
          %lt3A_609 = arith.constant 0.99609369 : f32
          %lt3A_610 = vector.broadcast %lt3A_609 : f32 to vector<16xf32>
          %lt3A_611 = arith.cmpf olt, %get3A_596, %lt3A_610 : vector<16xf32>
          %jit3A_612 = arith.constant 1.000000e+00 : f32
          %jit3A_613 = arith.constant 0.000000e+00 : f32
          %broadcast_in_dim3A_614 = vector.broadcast %jit3A_612 : f32 to vector<16xf32>
          %broadcast_in_dim3A_615 = vector.broadcast %jit3A_613 : f32 to vector<16xf32>
          %select_n3A_616 = arith.select %lt3A_611, %broadcast_in_dim3A_614, %broadcast_in_dim3A_615 : vector<16xi1>, vector<16xf32>
          %add3A_617 = arith.addf %add3A_582, %select_n3A_616 : vector<16xf32>
          %scan3A_618 = arith.constant 15 : i32
          %scan3A_619 = arith.addi %scan3A_95, %scan3A_618 : i32
          %mul3A_620 = arith.constant 16 : i32
          %mul3A_621 = arith.muli %scan3A_619, %mul3A_620 : i32
          %get3A_622 = arith.index_cast %scan3A_85 : i32 to index
          %get3A_623 = arith.index_cast %mul3A_621 : i32 to index
          %get3A_624 = tpu.vector_load %arg5[%get3A_622, %get3A_623] {strides = array<i32>} : memref<48x512xf32, #tpu.memory_space<vmem>>, vector<1x16xf32>,
          %get3A_625 = vector.shape_cast %get3A_624 : vector<1x16xf32> to vector<16xf32>
          %mul3A_626 = arith.constant 16 : i32
          %mul3A_627 = arith.muli %scan3A_619, %mul3A_626 : i32
          %get3A_628 = arith.index_cast %scan3A_85 : i32 to index
          %get3A_629 = arith.index_cast %mul3A_627 : i32 to index
          %get3A_630 = tpu.vector_load %arg6[%get3A_628, %get3A_629] {strides = array<i32>} : memref<48x512xf32, #tpu.memory_space<vmem>>, vector<1x16xf32>,
          %get3A_631 = vector.shape_cast %get3A_630 : vector<1x16xf32> to vector<16xf32>
          %sub3A_632 = arith.subf %get3A_625, %get3A_631 : vector<16xf32>
          %mul3A_633 = arith.mulf %sub3A_632, %sub3A_632 : vector<16xf32>
          %add3A_634 = arith.addf %add3A_599, %mul3A_633 : vector<16xf32>
          %lt3A_635 = arith.constant 0.99609369 : f32
          %lt3A_636 = vector.broadcast %lt3A_635 : f32 to vector<16xf32>
          %lt3A_637 = arith.cmpf olt, %get3A_625, %lt3A_636 : vector<16xf32>
          %jit3A_638 = arith.constant 1.000000e+00 : f32
          %jit3A_639 = arith.constant 0.000000e+00 : f32
          %broadcast_in_dim3A_640 = vector.broadcast %jit3A_638 : f32 to vector<16xf32>
          %broadcast_in_dim3A_641 = vector.broadcast %jit3A_639 : f32 to vector<16xf32>
          %select_n3A_642 = arith.select %lt3A_637, %broadcast_in_dim3A_640, %broadcast_in_dim3A_641 : vector<16xi1>, vector<16xf32>
          %add3A_643 = arith.addf %add3A_608, %select_n3A_642 : vector<16xf32>
          %lt3A_644 = arith.constant 0.99609369 : f32
          %lt3A_645 = vector.broadcast %lt3A_644 : f32 to vector<16xf32>
          %lt3A_646 = arith.cmpf olt, %get3A_631, %lt3A_645 : vector<16xf32>
          %jit3A_647 = arith.constant 1.000000e+00 : f32
          %jit3A_648 = arith.constant 0.000000e+00 : f32
          %broadcast_in_dim3A_649 = vector.broadcast %jit3A_647 : f32 to vector<16xf32>
          %broadcast_in_dim3A_650 = vector.broadcast %jit3A_648 : f32 to vector<16xf32>
          %select_n3A_651 = arith.select %lt3A_646, %broadcast_in_dim3A_649, %broadcast_in_dim3A_650 : vector<16xi1>, vector<16xf32>
          %add3A_652 = arith.addf %add3A_617, %select_n3A_651 : vector<16xf32>
          scf.yield %add3A_634, %add3A_643, %add3A_652 : vector<16xf32>, vector<16xf32>, vector<16xf32>
        }
        %scan3A_94 = arith.constant 32 : i32
        scf.yield %scan3A_93#0, %scan3A_93#1, %scan3A_93#2 : vector<16xf32>, vector<16xf32>, vector<16xf32>
      }
      %scan3A_64 = arith.constant 48 : i32
      %lt3A = arith.constant 5 : i32
      %lt3A_65 = arith.cmpi slt, %scan3A_29, %lt3A : i32
      %convert_element_type3A = arith.extui %lt3A_65 : i1 to i32
      %cond3A = arith.constant 0 : i32
      %cond3A_66 = arith.cmpi ne, %convert_element_type3A, %cond3A : i32
      scf.if %cond3A_66 {
        %mul3A_85 = arith.constant 2 : i32
        %mul3A_86 = arith.muli %mul3A_85, %scan3A_29 : i32
        %add3A_87 = arith.constant 2 : i32
        %add3A_88 = arith.addi %mul3A_86, %add3A_87 : i32
        %mul3A_89 = arith.constant 48 : i32
        %mul3A_90 = arith.muli %add3A_88, %mul3A_89 : i32
        %add3A_91 = arith.addi %mul3A_2, %mul3A_90 : i32
        %dma_start3A_92 = arith.constant 0 : i32
        %dma_start3A_93 = tpu.memref_slice %arg2[%add3A_91, %dma_start3A_92] : memref<49152x512xf32, #tpu.memory_space<hbm>> -> memref<48x512xf32, #tpu.memory_space<hbm>>
        %dma_start3A_94 = arith.constant 0 : i32
        %dma_start3A_95 = tpu.memref_slice %arg2[%add3A_91, %dma_start3A_94] : memref<49152x512xf32, #tpu.memory_space<hbm>> -> memref<48x512xf32, #tpu.memory_space<hbm>>
        tpu.enqueue_dma source(%dma_start3A_95 : memref<48x512xf32, #tpu.memory_space<hbm>>) target(%arg5 : memref<48x512xf32, #tpu.memory_space<vmem>>) target_semaphore(%arg10 : memref<!tpu.dma_semaphore, #tpu.memory_space<semaphore_mem>>)
        %dma_start3A_96 = arith.constant 0 : i32
        %dma_start3A_97 = tpu.memref_slice %arg3[%add3A_91, %dma_start3A_96] : memref<49152x512xf32, #tpu.memory_space<hbm>> -> memref<48x512xf32, #tpu.memory_space<hbm>>
        %dma_start3A_98 = arith.constant 0 : i32
        %dma_start3A_99 = tpu.memref_slice %arg3[%add3A_91, %dma_start3A_98] : memref<49152x512xf32, #tpu.memory_space<hbm>> -> memref<48x512xf32, #tpu.memory_space<hbm>>
        tpu.enqueue_dma source(%dma_start3A_99 : memref<48x512xf32, #tpu.memory_space<hbm>>) target(%arg6 : memref<48x512xf32, #tpu.memory_space<vmem>>) target_semaphore(%arg10 : memref<!tpu.dma_semaphore, #tpu.memory_space<semaphore_mem>>)
      } else {
      }
      %dma_wait3A_67 = arith.constant 0 : i32
      %dma_wait3A_68 = arith.constant 0 : i32
      %dma_wait3A_69 = tpu.memref_slice %arg2[%dma_wait3A_67, %dma_wait3A_68] : memref<49152x512xf32, #tpu.memory_space<hbm>> -> memref<48x512xf32, #tpu.memory_space<hbm>>
      %dma_wait3A_70 = arith.constant 0 : i32
      %dma_wait3A_71 = arith.constant 0 : i32
      %dma_wait3A_72 = tpu.memref_slice %arg2[%dma_wait3A_70, %dma_wait3A_71] : memref<49152x512xf32, #tpu.memory_space<hbm>> -> memref<48x512xf32, #tpu.memory_space<hbm>>
      tpu.wait_dma2 semaphore(%arg11 : memref<!tpu.dma_semaphore, #tpu.memory_space<semaphore_mem>>) src(%dma_wait3A_72 : memref<48x512xf32, #tpu.memory_space<hbm>>) dst(%arg7 : memref<48x512xf32, #tpu.memory_space<vmem>>)
      %dma_wait3A_73 = arith.constant 0 : i32
      %dma_wait3A_74 = arith.constant 0 : i32
      %dma_wait3A_75 = tpu.memref_slice %arg3[%dma_wait3A_73, %dma_wait3A_74] : memref<49152x512xf32, #tpu.memory_space<hbm>> -> memref<48x512xf32, #tpu.memory_space<hbm>>
      %dma_wait3A_76 = arith.constant 0 : i32
      %dma_wait3A_77 = arith.constant 0 : i32
      %dma_wait3A_78 = tpu.memref_slice %arg3[%dma_wait3A_76, %dma_wait3A_77] : memref<49152x512xf32, #tpu.memory_space<hbm>> -> memref<48x512xf32, #tpu.memory_space<hbm>>
      tpu.wait_dma2 semaphore(%arg11 : memref<!tpu.dma_semaphore, #tpu.memory_space<semaphore_mem>>) src(%dma_wait3A_78 : memref<48x512xf32, #tpu.memory_space<hbm>>) dst(%arg8 : memref<48x512xf32, #tpu.memory_space<vmem>>)
      %scan3A_79 = arith.constant 0 : i32
      %scan3A_80 = arith.constant 48 : i32
      %scan3A_81 = arith.addi %scan3A_79, %scan3A_80 : i32
      %scan3A_82 = arith.constant 1 : i32
      %scan3A_83:3 = scf.for %scan3A_85 = %scan3A_79 to %scan3A_81 step %scan3A_82 iter_args(%scan3A_86 = %scan3A_63#0, %scan3A_87 = %scan3A_63#1, %scan3A_88 = %scan3A_63#2) -> (vector<16xf32>, vector<16xf32>, vector<16xf32>)  : i32 {
        %scan3A_89 = arith.constant 0 : i32
        %scan3A_90 = arith.constant 32 : i32
        %scan3A_91 = arith.addi %scan3A_89, %scan3A_90 : i32
        %scan3A_92 = arith.constant 16 : i32
        %scan3A_93:3 = scf.for %scan3A_95 = %scan3A_89 to %scan3A_91 step %scan3A_92 iter_args(%scan3A_96 = %scan3A_86, %scan3A_97 = %scan3A_87, %scan3A_98 = %scan3A_88) -> (vector<16xf32>, vector<16xf32>, vector<16xf32>)  : i32 {
          %mul3A_99 = arith.constant 16 : i32
          %mul3A_100 = arith.muli %scan3A_95, %mul3A_99 : i32
          %get3A = arith.index_cast %scan3A_85 : i32 to index
          %get3A_101 = arith.index_cast %mul3A_100 : i32 to index
          %get3A_102 = tpu.vector_load %arg7[%get3A, %get3A_101] {strides = array<i32>} : memref<48x512xf32, #tpu.memory_space<vmem>>, vector<1x16xf32>,
          %get3A_103 = vector.shape_cast %get3A_102 : vector<1x16xf32> to vector<16xf32>
          %mul3A_104 = arith.constant 16 : i32
          %mul3A_105 = arith.muli %scan3A_95, %mul3A_104 : i32
          %get3A_106 = arith.index_cast %scan3A_85 : i32 to index
          %get3A_107 = arith.index_cast %mul3A_105 : i32 to index
          %get3A_108 = tpu.vector_load %arg8[%get3A_106, %get3A_107] {strides = array<i32>} : memref<48x512xf32, #tpu.memory_space<vmem>>, vector<1x16xf32>,
          %get3A_109 = vector.shape_cast %get3A_108 : vector<1x16xf32> to vector<16xf32>
          %sub3A = arith.subf %get3A_103, %get3A_109 : vector<16xf32>
          %mul3A_110 = arith.mulf %sub3A, %sub3A : vector<16xf32>
          %add3A_111 = arith.addf %scan3A_96, %mul3A_110 : vector<16xf32>
          %lt3A_112 = arith.constant 0.99609369 : f32
          %lt3A_113 = vector.broadcast %lt3A_112 : f32 to vector<16xf32>
          %lt3A_114 = arith.cmpf olt, %get3A_103, %lt3A_113 : vector<16xf32>
          %jit3A = arith.constant 1.000000e+00 : f32
          %jit3A_115 = arith.constant 0.000000e+00 : f32
          %broadcast_in_dim3A_116 = vector.broadcast %jit3A : f32 to vector<16xf32>
          %broadcast_in_dim3A_117 = vector.broadcast %jit3A_115 : f32 to vector<16xf32>
          %select_n3A = arith.select %lt3A_114, %broadcast_in_dim3A_116, %broadcast_in_dim3A_117 : vector<16xi1>, vector<16xf32>
          %add3A_118 = arith.addf %scan3A_97, %select_n3A : vector<16xf32>
          %lt3A_119 = arith.constant 0.99609369 : f32
          %lt3A_120 = vector.broadcast %lt3A_119 : f32 to vector<16xf32>
          %lt3A_121 = arith.cmpf olt, %get3A_109, %lt3A_120 : vector<16xf32>
          %jit3A_122 = arith.constant 1.000000e+00 : f32
          %jit3A_123 = arith.constant 0.000000e+00 : f32
          %broadcast_in_dim3A_124 = vector.broadcast %jit3A_122 : f32 to vector<16xf32>
          %broadcast_in_dim3A_125 = vector.broadcast %jit3A_123 : f32 to vector<16xf32>
          %select_n3A_126 = arith.select %lt3A_121, %broadcast_in_dim3A_124, %broadcast_in_dim3A_125 : vector<16xi1>, vector<16xf32>
          %add3A_127 = arith.addf %scan3A_98, %select_n3A_126 : vector<16xf32>
          %scan3A_128 = arith.constant 1 : i32
          %scan3A_129 = arith.addi %scan3A_95, %scan3A_128 : i32
          %mul3A_130 = arith.constant 16 : i32
          %mul3A_131 = arith.muli %scan3A_129, %mul3A_130 : i32
          %get3A_132 = arith.index_cast %scan3A_85 : i32 to index
          %get3A_133 = arith.index_cast %mul3A_131 : i32 to index
          %get3A_134 = tpu.vector_load %arg7[%get3A_132, %get3A_133] {strides = array<i32>} : memref<48x512xf32, #tpu.memory_space<vmem>>, vector<1x16xf32>,
          %get3A_135 = vector.shape_cast %get3A_134 : vector<1x16xf32> to vector<16xf32>
          %mul3A_136 = arith.constant 16 : i32
          %mul3A_137 = arith.muli %scan3A_129, %mul3A_136 : i32
          %get3A_138 = arith.index_cast %scan3A_85 : i32 to index
          %get3A_139 = arith.index_cast %mul3A_137 : i32 to index
          %get3A_140 = tpu.vector_load %arg8[%get3A_138, %get3A_139] {strides = array<i32>} : memref<48x512xf32, #tpu.memory_space<vmem>>, vector<1x16xf32>,
          %get3A_141 = vector.shape_cast %get3A_140 : vector<1x16xf32> to vector<16xf32>
          %sub3A_142 = arith.subf %get3A_135, %get3A_141 : vector<16xf32>
          %mul3A_143 = arith.mulf %sub3A_142, %sub3A_142 : vector<16xf32>
          %add3A_144 = arith.addf %add3A_111, %mul3A_143 : vector<16xf32>
          %lt3A_145 = arith.constant 0.99609369 : f32
          %lt3A_146 = vector.broadcast %lt3A_145 : f32 to vector<16xf32>
          %lt3A_147 = arith.cmpf olt, %get3A_135, %lt3A_146 : vector<16xf32>
          %jit3A_148 = arith.constant 1.000000e+00 : f32
          %jit3A_149 = arith.constant 0.000000e+00 : f32
          %broadcast_in_dim3A_150 = vector.broadcast %jit3A_148 : f32 to vector<16xf32>
          %broadcast_in_dim3A_151 = vector.broadcast %jit3A_149 : f32 to vector<16xf32>
          %select_n3A_152 = arith.select %lt3A_147, %broadcast_in_dim3A_150, %broadcast_in_dim3A_151 : vector<16xi1>, vector<16xf32>
          %add3A_153 = arith.addf %add3A_118, %select_n3A_152 : vector<16xf32>
          %lt3A_154 = arith.constant 0.99609369 : f32
          %lt3A_155 = vector.broadcast %lt3A_154 : f32 to vector<16xf32>
          %lt3A_156 = arith.cmpf olt, %get3A_141, %lt3A_155 : vector<16xf32>
          %jit3A_157 = arith.constant 1.000000e+00 : f32
          %jit3A_158 = arith.constant 0.000000e+00 : f32
          %broadcast_in_dim3A_159 = vector.broadcast %jit3A_157 : f32 to vector<16xf32>
          %broadcast_in_dim3A_160 = vector.broadcast %jit3A_158 : f32 to vector<16xf32>
          %select_n3A_161 = arith.select %lt3A_156, %broadcast_in_dim3A_159, %broadcast_in_dim3A_160 : vector<16xi1>, vector<16xf32>
          %add3A_162 = arith.addf %add3A_127, %select_n3A_161 : vector<16xf32>
          %scan3A_163 = arith.constant 2 : i32
          %scan3A_164 = arith.addi %scan3A_95, %scan3A_163 : i32
          %mul3A_165 = arith.constant 16 : i32
          %mul3A_166 = arith.muli %scan3A_164, %mul3A_165 : i32
          %get3A_167 = arith.index_cast %scan3A_85 : i32 to index
          %get3A_168 = arith.index_cast %mul3A_166 : i32 to index
          %get3A_169 = tpu.vector_load %arg7[%get3A_167, %get3A_168] {strides = array<i32>} : memref<48x512xf32, #tpu.memory_space<vmem>>, vector<1x16xf32>,
          %get3A_170 = vector.shape_cast %get3A_169 : vector<1x16xf32> to vector<16xf32>
          %mul3A_171 = arith.constant 16 : i32
          %mul3A_172 = arith.muli %scan3A_164, %mul3A_171 : i32
          %get3A_173 = arith.index_cast %scan3A_85 : i32 to index
          %get3A_174 = arith.index_cast %mul3A_172 : i32 to index
          %get3A_175 = tpu.vector_load %arg8[%get3A_173, %get3A_174] {strides = array<i32>} : memref<48x512xf32, #tpu.memory_space<vmem>>, vector<1x16xf32>,
          %get3A_176 = vector.shape_cast %get3A_175 : vector<1x16xf32> to vector<16xf32>
          %sub3A_177 = arith.subf %get3A_170, %get3A_176 : vector<16xf32>
          %mul3A_178 = arith.mulf %sub3A_177, %sub3A_177 : vector<16xf32>
          %add3A_179 = arith.addf %add3A_144, %mul3A_178 : vector<16xf32>
          %lt3A_180 = arith.constant 0.99609369 : f32
          %lt3A_181 = vector.broadcast %lt3A_180 : f32 to vector<16xf32>
          %lt3A_182 = arith.cmpf olt, %get3A_170, %lt3A_181 : vector<16xf32>
          %jit3A_183 = arith.constant 1.000000e+00 : f32
          %jit3A_184 = arith.constant 0.000000e+00 : f32
          %broadcast_in_dim3A_185 = vector.broadcast %jit3A_183 : f32 to vector<16xf32>
          %broadcast_in_dim3A_186 = vector.broadcast %jit3A_184 : f32 to vector<16xf32>
          %select_n3A_187 = arith.select %lt3A_182, %broadcast_in_dim3A_185, %broadcast_in_dim3A_186 : vector<16xi1>, vector<16xf32>
          %add3A_188 = arith.addf %add3A_153, %select_n3A_187 : vector<16xf32>
          %lt3A_189 = arith.constant 0.99609369 : f32
          %lt3A_190 = vector.broadcast %lt3A_189 : f32 to vector<16xf32>
          %lt3A_191 = arith.cmpf olt, %get3A_176, %lt3A_190 : vector<16xf32>
          %jit3A_192 = arith.constant 1.000000e+00 : f32
          %jit3A_193 = arith.constant 0.000000e+00 : f32
          %broadcast_in_dim3A_194 = vector.broadcast %jit3A_192 : f32 to vector<16xf32>
          %broadcast_in_dim3A_195 = vector.broadcast %jit3A_193 : f32 to vector<16xf32>
          %select_n3A_196 = arith.select %lt3A_191, %broadcast_in_dim3A_194, %broadcast_in_dim3A_195 : vector<16xi1>, vector<16xf32>
          %add3A_197 = arith.addf %add3A_162, %select_n3A_196 : vector<16xf32>
          %scan3A_198 = arith.constant 3 : i32
          %scan3A_199 = arith.addi %scan3A_95, %scan3A_198 : i32
          %mul3A_200 = arith.constant 16 : i32
          %mul3A_201 = arith.muli %scan3A_199, %mul3A_200 : i32
          %get3A_202 = arith.index_cast %scan3A_85 : i32 to index
          %get3A_203 = arith.index_cast %mul3A_201 : i32 to index
          %get3A_204 = tpu.vector_load %arg7[%get3A_202, %get3A_203] {strides = array<i32>} : memref<48x512xf32, #tpu.memory_space<vmem>>, vector<1x16xf32>,
          %get3A_205 = vector.shape_cast %get3A_204 : vector<1x16xf32> to vector<16xf32>
          %mul3A_206 = arith.constant 16 : i32
          %mul3A_207 = arith.muli %scan3A_199, %mul3A_206 : i32
          %get3A_208 = arith.index_cast %scan3A_85 : i32 to index
          %get3A_209 = arith.index_cast %mul3A_207 : i32 to index
          %get3A_210 = tpu.vector_load %arg8[%get3A_208, %get3A_209] {strides = array<i32>} : memref<48x512xf32, #tpu.memory_space<vmem>>, vector<1x16xf32>,
          %get3A_211 = vector.shape_cast %get3A_210 : vector<1x16xf32> to vector<16xf32>
          %sub3A_212 = arith.subf %get3A_205, %get3A_211 : vector<16xf32>
          %mul3A_213 = arith.mulf %sub3A_212, %sub3A_212 : vector<16xf32>
          %add3A_214 = arith.addf %add3A_179, %mul3A_213 : vector<16xf32>
          %lt3A_215 = arith.constant 0.99609369 : f32
          %lt3A_216 = vector.broadcast %lt3A_215 : f32 to vector<16xf32>
          %lt3A_217 = arith.cmpf olt, %get3A_205, %lt3A_216 : vector<16xf32>
          %jit3A_218 = arith.constant 1.000000e+00 : f32
          %jit3A_219 = arith.constant 0.000000e+00 : f32
          %broadcast_in_dim3A_220 = vector.broadcast %jit3A_218 : f32 to vector<16xf32>
          %broadcast_in_dim3A_221 = vector.broadcast %jit3A_219 : f32 to vector<16xf32>
          %select_n3A_222 = arith.select %lt3A_217, %broadcast_in_dim3A_220, %broadcast_in_dim3A_221 : vector<16xi1>, vector<16xf32>
          %add3A_223 = arith.addf %add3A_188, %select_n3A_222 : vector<16xf32>
          %lt3A_224 = arith.constant 0.99609369 : f32
          %lt3A_225 = vector.broadcast %lt3A_224 : f32 to vector<16xf32>
          %lt3A_226 = arith.cmpf olt, %get3A_211, %lt3A_225 : vector<16xf32>
          %jit3A_227 = arith.constant 1.000000e+00 : f32
          %jit3A_228 = arith.constant 0.000000e+00 : f32
          %broadcast_in_dim3A_229 = vector.broadcast %jit3A_227 : f32 to vector<16xf32>
          %broadcast_in_dim3A_230 = vector.broadcast %jit3A_228 : f32 to vector<16xf32>
          %select_n3A_231 = arith.select %lt3A_226, %broadcast_in_dim3A_229, %broadcast_in_dim3A_230 : vector<16xi1>, vector<16xf32>
          %add3A_232 = arith.addf %add3A_197, %select_n3A_231 : vector<16xf32>
          %scan3A_233 = arith.constant 4 : i32
          %scan3A_234 = arith.addi %scan3A_95, %scan3A_233 : i32
          %mul3A_235 = arith.constant 16 : i32
          %mul3A_236 = arith.muli %scan3A_234, %mul3A_235 : i32
          %get3A_237 = arith.index_cast %scan3A_85 : i32 to index
          %get3A_238 = arith.index_cast %mul3A_236 : i32 to index
          %get3A_239 = tpu.vector_load %arg7[%get3A_237, %get3A_238] {strides = array<i32>} : memref<48x512xf32, #tpu.memory_space<vmem>>, vector<1x16xf32>,
          %get3A_240 = vector.shape_cast %get3A_239 : vector<1x16xf32> to vector<16xf32>
          %mul3A_241 = arith.constant 16 : i32
          %mul3A_242 = arith.muli %scan3A_234, %mul3A_241 : i32
          %get3A_243 = arith.index_cast %scan3A_85 : i32 to index
          %get3A_244 = arith.index_cast %mul3A_242 : i32 to index
          %get3A_245 = tpu.vector_load %arg8[%get3A_243, %get3A_244] {strides = array<i32>} : memref<48x512xf32, #tpu.memory_space<vmem>>, vector<1x16xf32>,
          %get3A_246 = vector.shape_cast %get3A_245 : vector<1x16xf32> to vector<16xf32>
          %sub3A_247 = arith.subf %get3A_240, %get3A_246 : vector<16xf32>
          %mul3A_248 = arith.mulf %sub3A_247, %sub3A_247 : vector<16xf32>
          %add3A_249 = arith.addf %add3A_214, %mul3A_248 : vector<16xf32>
          %lt3A_250 = arith.constant 0.99609369 : f32
          %lt3A_251 = vector.broadcast %lt3A_250 : f32 to vector<16xf32>
          %lt3A_252 = arith.cmpf olt, %get3A_240, %lt3A_251 : vector<16xf32>
          %jit3A_253 = arith.constant 1.000000e+00 : f32
          %jit3A_254 = arith.constant 0.000000e+00 : f32
          %broadcast_in_dim3A_255 = vector.broadcast %jit3A_253 : f32 to vector<16xf32>
          %broadcast_in_dim3A_256 = vector.broadcast %jit3A_254 : f32 to vector<16xf32>
          %select_n3A_257 = arith.select %lt3A_252, %broadcast_in_dim3A_255, %broadcast_in_dim3A_256 : vector<16xi1>, vector<16xf32>
          %add3A_258 = arith.addf %add3A_223, %select_n3A_257 : vector<16xf32>
          %lt3A_259 = arith.constant 0.99609369 : f32
          %lt3A_260 = vector.broadcast %lt3A_259 : f32 to vector<16xf32>
          %lt3A_261 = arith.cmpf olt, %get3A_246, %lt3A_260 : vector<16xf32>
          %jit3A_262 = arith.constant 1.000000e+00 : f32
          %jit3A_263 = arith.constant 0.000000e+00 : f32
          %broadcast_in_dim3A_264 = vector.broadcast %jit3A_262 : f32 to vector<16xf32>
          %broadcast_in_dim3A_265 = vector.broadcast %jit3A_263 : f32 to vector<16xf32>
          %select_n3A_266 = arith.select %lt3A_261, %broadcast_in_dim3A_264, %broadcast_in_dim3A_265 : vector<16xi1>, vector<16xf32>
          %add3A_267 = arith.addf %add3A_232, %select_n3A_266 : vector<16xf32>
          %scan3A_268 = arith.constant 5 : i32
          %scan3A_269 = arith.addi %scan3A_95, %scan3A_268 : i32
          %mul3A_270 = arith.constant 16 : i32
          %mul3A_271 = arith.muli %scan3A_269, %mul3A_270 : i32
          %get3A_272 = arith.index_cast %scan3A_85 : i32 to index
          %get3A_273 = arith.index_cast %mul3A_271 : i32 to index
          %get3A_274 = tpu.vector_load %arg7[%get3A_272, %get3A_273] {strides = array<i32>} : memref<48x512xf32, #tpu.memory_space<vmem>>, vector<1x16xf32>,
          %get3A_275 = vector.shape_cast %get3A_274 : vector<1x16xf32> to vector<16xf32>
          %mul3A_276 = arith.constant 16 : i32
          %mul3A_277 = arith.muli %scan3A_269, %mul3A_276 : i32
          %get3A_278 = arith.index_cast %scan3A_85 : i32 to index
          %get3A_279 = arith.index_cast %mul3A_277 : i32 to index
          %get3A_280 = tpu.vector_load %arg8[%get3A_278, %get3A_279] {strides = array<i32>} : memref<48x512xf32, #tpu.memory_space<vmem>>, vector<1x16xf32>,
          %get3A_281 = vector.shape_cast %get3A_280 : vector<1x16xf32> to vector<16xf32>
          %sub3A_282 = arith.subf %get3A_275, %get3A_281 : vector<16xf32>
          %mul3A_283 = arith.mulf %sub3A_282, %sub3A_282 : vector<16xf32>
          %add3A_284 = arith.addf %add3A_249, %mul3A_283 : vector<16xf32>
          %lt3A_285 = arith.constant 0.99609369 : f32
          %lt3A_286 = vector.broadcast %lt3A_285 : f32 to vector<16xf32>
          %lt3A_287 = arith.cmpf olt, %get3A_275, %lt3A_286 : vector<16xf32>
          %jit3A_288 = arith.constant 1.000000e+00 : f32
          %jit3A_289 = arith.constant 0.000000e+00 : f32
          %broadcast_in_dim3A_290 = vector.broadcast %jit3A_288 : f32 to vector<16xf32>
          %broadcast_in_dim3A_291 = vector.broadcast %jit3A_289 : f32 to vector<16xf32>
          %select_n3A_292 = arith.select %lt3A_287, %broadcast_in_dim3A_290, %broadcast_in_dim3A_291 : vector<16xi1>, vector<16xf32>
          %add3A_293 = arith.addf %add3A_258, %select_n3A_292 : vector<16xf32>
          %lt3A_294 = arith.constant 0.99609369 : f32
          %lt3A_295 = vector.broadcast %lt3A_294 : f32 to vector<16xf32>
          %lt3A_296 = arith.cmpf olt, %get3A_281, %lt3A_295 : vector<16xf32>
          %jit3A_297 = arith.constant 1.000000e+00 : f32
          %jit3A_298 = arith.constant 0.000000e+00 : f32
          %broadcast_in_dim3A_299 = vector.broadcast %jit3A_297 : f32 to vector<16xf32>
          %broadcast_in_dim3A_300 = vector.broadcast %jit3A_298 : f32 to vector<16xf32>
          %select_n3A_301 = arith.select %lt3A_296, %broadcast_in_dim3A_299, %broadcast_in_dim3A_300 : vector<16xi1>, vector<16xf32>
          %add3A_302 = arith.addf %add3A_267, %select_n3A_301 : vector<16xf32>
          %scan3A_303 = arith.constant 6 : i32
          %scan3A_304 = arith.addi %scan3A_95, %scan3A_303 : i32
          %mul3A_305 = arith.constant 16 : i32
          %mul3A_306 = arith.muli %scan3A_304, %mul3A_305 : i32
          %get3A_307 = arith.index_cast %scan3A_85 : i32 to index
          %get3A_308 = arith.index_cast %mul3A_306 : i32 to index
          %get3A_309 = tpu.vector_load %arg7[%get3A_307, %get3A_308] {strides = array<i32>} : memref<48x512xf32, #tpu.memory_space<vmem>>, vector<1x16xf32>,
          %get3A_310 = vector.shape_cast %get3A_309 : vector<1x16xf32> to vector<16xf32>
          %mul3A_311 = arith.constant 16 : i32
          %mul3A_312 = arith.muli %scan3A_304, %mul3A_311 : i32
          %get3A_313 = arith.index_cast %scan3A_85 : i32 to index
          %get3A_314 = arith.index_cast %mul3A_312 : i32 to index
          %get3A_315 = tpu.vector_load %arg8[%get3A_313, %get3A_314] {strides = array<i32>} : memref<48x512xf32, #tpu.memory_space<vmem>>, vector<1x16xf32>,
          %get3A_316 = vector.shape_cast %get3A_315 : vector<1x16xf32> to vector<16xf32>
          %sub3A_317 = arith.subf %get3A_310, %get3A_316 : vector<16xf32>
          %mul3A_318 = arith.mulf %sub3A_317, %sub3A_317 : vector<16xf32>
          %add3A_319 = arith.addf %add3A_284, %mul3A_318 : vector<16xf32>
          %lt3A_320 = arith.constant 0.99609369 : f32
          %lt3A_321 = vector.broadcast %lt3A_320 : f32 to vector<16xf32>
          %lt3A_322 = arith.cmpf olt, %get3A_310, %lt3A_321 : vector<16xf32>
          %jit3A_323 = arith.constant 1.000000e+00 : f32
          %jit3A_324 = arith.constant 0.000000e+00 : f32
          %broadcast_in_dim3A_325 = vector.broadcast %jit3A_323 : f32 to vector<16xf32>
          %broadcast_in_dim3A_326 = vector.broadcast %jit3A_324 : f32 to vector<16xf32>
          %select_n3A_327 = arith.select %lt3A_322, %broadcast_in_dim3A_325, %broadcast_in_dim3A_326 : vector<16xi1>, vector<16xf32>
          %add3A_328 = arith.addf %add3A_293, %select_n3A_327 : vector<16xf32>
          %lt3A_329 = arith.constant 0.99609369 : f32
          %lt3A_330 = vector.broadcast %lt3A_329 : f32 to vector<16xf32>
          %lt3A_331 = arith.cmpf olt, %get3A_316, %lt3A_330 : vector<16xf32>
          %jit3A_332 = arith.constant 1.000000e+00 : f32
          %jit3A_333 = arith.constant 0.000000e+00 : f32
          %broadcast_in_dim3A_334 = vector.broadcast %jit3A_332 : f32 to vector<16xf32>
          %broadcast_in_dim3A_335 = vector.broadcast %jit3A_333 : f32 to vector<16xf32>
          %select_n3A_336 = arith.select %lt3A_331, %broadcast_in_dim3A_334, %broadcast_in_dim3A_335 : vector<16xi1>, vector<16xf32>
          %add3A_337 = arith.addf %add3A_302, %select_n3A_336 : vector<16xf32>
          %scan3A_338 = arith.constant 7 : i32
          %scan3A_339 = arith.addi %scan3A_95, %scan3A_338 : i32
          %mul3A_340 = arith.constant 16 : i32
          %mul3A_341 = arith.muli %scan3A_339, %mul3A_340 : i32
          %get3A_342 = arith.index_cast %scan3A_85 : i32 to index
          %get3A_343 = arith.index_cast %mul3A_341 : i32 to index
          %get3A_344 = tpu.vector_load %arg7[%get3A_342, %get3A_343] {strides = array<i32>} : memref<48x512xf32, #tpu.memory_space<vmem>>, vector<1x16xf32>,
          %get3A_345 = vector.shape_cast %get3A_344 : vector<1x16xf32> to vector<16xf32>
          %mul3A_346 = arith.constant 16 : i32
          %mul3A_347 = arith.muli %scan3A_339, %mul3A_346 : i32
          %get3A_348 = arith.index_cast %scan3A_85 : i32 to index
          %get3A_349 = arith.index_cast %mul3A_347 : i32 to index
          %get3A_350 = tpu.vector_load %arg8[%get3A_348, %get3A_349] {strides = array<i32>} : memref<48x512xf32, #tpu.memory_space<vmem>>, vector<1x16xf32>,
          %get3A_351 = vector.shape_cast %get3A_350 : vector<1x16xf32> to vector<16xf32>
          %sub3A_352 = arith.subf %get3A_345, %get3A_351 : vector<16xf32>
          %mul3A_353 = arith.mulf %sub3A_352, %sub3A_352 : vector<16xf32>
          %add3A_354 = arith.addf %add3A_319, %mul3A_353 : vector<16xf32>
          %lt3A_355 = arith.constant 0.99609369 : f32
          %lt3A_356 = vector.broadcast %lt3A_355 : f32 to vector<16xf32>
          %lt3A_357 = arith.cmpf olt, %get3A_345, %lt3A_356 : vector<16xf32>
          %jit3A_358 = arith.constant 1.000000e+00 : f32
          %jit3A_359 = arith.constant 0.000000e+00 : f32
          %broadcast_in_dim3A_360 = vector.broadcast %jit3A_358 : f32 to vector<16xf32>
          %broadcast_in_dim3A_361 = vector.broadcast %jit3A_359 : f32 to vector<16xf32>
          %select_n3A_362 = arith.select %lt3A_357, %broadcast_in_dim3A_360, %broadcast_in_dim3A_361 : vector<16xi1>, vector<16xf32>
          %add3A_363 = arith.addf %add3A_328, %select_n3A_362 : vector<16xf32>
          %lt3A_364 = arith.constant 0.99609369 : f32
          %lt3A_365 = vector.broadcast %lt3A_364 : f32 to vector<16xf32>
          %lt3A_366 = arith.cmpf olt, %get3A_351, %lt3A_365 : vector<16xf32>
          %jit3A_367 = arith.constant 1.000000e+00 : f32
          %jit3A_368 = arith.constant 0.000000e+00 : f32
          %broadcast_in_dim3A_369 = vector.broadcast %jit3A_367 : f32 to vector<16xf32>
          %broadcast_in_dim3A_370 = vector.broadcast %jit3A_368 : f32 to vector<16xf32>
          %select_n3A_371 = arith.select %lt3A_366, %broadcast_in_dim3A_369, %broadcast_in_dim3A_370 : vector<16xi1>, vector<16xf32>
          %add3A_372 = arith.addf %add3A_337, %select_n3A_371 : vector<16xf32>
          %scan3A_373 = arith.constant 8 : i32
          %scan3A_374 = arith.addi %scan3A_95, %scan3A_373 : i32
          %mul3A_375 = arith.constant 16 : i32
          %mul3A_376 = arith.muli %scan3A_374, %mul3A_375 : i32
          %get3A_377 = arith.index_cast %scan3A_85 : i32 to index
          %get3A_378 = arith.index_cast %mul3A_376 : i32 to index
          %get3A_379 = tpu.vector_load %arg7[%get3A_377, %get3A_378] {strides = array<i32>} : memref<48x512xf32, #tpu.memory_space<vmem>>, vector<1x16xf32>,
          %get3A_380 = vector.shape_cast %get3A_379 : vector<1x16xf32> to vector<16xf32>
          %mul3A_381 = arith.constant 16 : i32
          %mul3A_382 = arith.muli %scan3A_374, %mul3A_381 : i32
          %get3A_383 = arith.index_cast %scan3A_85 : i32 to index
          %get3A_384 = arith.index_cast %mul3A_382 : i32 to index
          %get3A_385 = tpu.vector_load %arg8[%get3A_383, %get3A_384] {strides = array<i32>} : memref<48x512xf32, #tpu.memory_space<vmem>>, vector<1x16xf32>,
          %get3A_386 = vector.shape_cast %get3A_385 : vector<1x16xf32> to vector<16xf32>
          %sub3A_387 = arith.subf %get3A_380, %get3A_386 : vector<16xf32>
          %mul3A_388 = arith.mulf %sub3A_387, %sub3A_387 : vector<16xf32>
          %add3A_389 = arith.addf %add3A_354, %mul3A_388 : vector<16xf32>
          %lt3A_390 = arith.constant 0.99609369 : f32
          %lt3A_391 = vector.broadcast %lt3A_390 : f32 to vector<16xf32>
          %lt3A_392 = arith.cmpf olt, %get3A_380, %lt3A_391 : vector<16xf32>
          %jit3A_393 = arith.constant 1.000000e+00 : f32
          %jit3A_394 = arith.constant 0.000000e+00 : f32
          %broadcast_in_dim3A_395 = vector.broadcast %jit3A_393 : f32 to vector<16xf32>
          %broadcast_in_dim3A_396 = vector.broadcast %jit3A_394 : f32 to vector<16xf32>
          %select_n3A_397 = arith.select %lt3A_392, %broadcast_in_dim3A_395, %broadcast_in_dim3A_396 : vector<16xi1>, vector<16xf32>
          %add3A_398 = arith.addf %add3A_363, %select_n3A_397 : vector<16xf32>
          %lt3A_399 = arith.constant 0.99609369 : f32
          %lt3A_400 = vector.broadcast %lt3A_399 : f32 to vector<16xf32>
          %lt3A_401 = arith.cmpf olt, %get3A_386, %lt3A_400 : vector<16xf32>
          %jit3A_402 = arith.constant 1.000000e+00 : f32
          %jit3A_403 = arith.constant 0.000000e+00 : f32
          %broadcast_in_dim3A_404 = vector.broadcast %jit3A_402 : f32 to vector<16xf32>
          %broadcast_in_dim3A_405 = vector.broadcast %jit3A_403 : f32 to vector<16xf32>
          %select_n3A_406 = arith.select %lt3A_401, %broadcast_in_dim3A_404, %broadcast_in_dim3A_405 : vector<16xi1>, vector<16xf32>
          %add3A_407 = arith.addf %add3A_372, %select_n3A_406 : vector<16xf32>
          %scan3A_408 = arith.constant 9 : i32
          %scan3A_409 = arith.addi %scan3A_95, %scan3A_408 : i32
          %mul3A_410 = arith.constant 16 : i32
          %mul3A_411 = arith.muli %scan3A_409, %mul3A_410 : i32
          %get3A_412 = arith.index_cast %scan3A_85 : i32 to index
          %get3A_413 = arith.index_cast %mul3A_411 : i32 to index
          %get3A_414 = tpu.vector_load %arg7[%get3A_412, %get3A_413] {strides = array<i32>} : memref<48x512xf32, #tpu.memory_space<vmem>>, vector<1x16xf32>,
          %get3A_415 = vector.shape_cast %get3A_414 : vector<1x16xf32> to vector<16xf32>
          %mul3A_416 = arith.constant 16 : i32
          %mul3A_417 = arith.muli %scan3A_409, %mul3A_416 : i32
          %get3A_418 = arith.index_cast %scan3A_85 : i32 to index
          %get3A_419 = arith.index_cast %mul3A_417 : i32 to index
          %get3A_420 = tpu.vector_load %arg8[%get3A_418, %get3A_419] {strides = array<i32>} : memref<48x512xf32, #tpu.memory_space<vmem>>, vector<1x16xf32>,
          %get3A_421 = vector.shape_cast %get3A_420 : vector<1x16xf32> to vector<16xf32>
          %sub3A_422 = arith.subf %get3A_415, %get3A_421 : vector<16xf32>
          %mul3A_423 = arith.mulf %sub3A_422, %sub3A_422 : vector<16xf32>
          %add3A_424 = arith.addf %add3A_389, %mul3A_423 : vector<16xf32>
          %lt3A_425 = arith.constant 0.99609369 : f32
          %lt3A_426 = vector.broadcast %lt3A_425 : f32 to vector<16xf32>
          %lt3A_427 = arith.cmpf olt, %get3A_415, %lt3A_426 : vector<16xf32>
          %jit3A_428 = arith.constant 1.000000e+00 : f32
          %jit3A_429 = arith.constant 0.000000e+00 : f32
          %broadcast_in_dim3A_430 = vector.broadcast %jit3A_428 : f32 to vector<16xf32>
          %broadcast_in_dim3A_431 = vector.broadcast %jit3A_429 : f32 to vector<16xf32>
          %select_n3A_432 = arith.select %lt3A_427, %broadcast_in_dim3A_430, %broadcast_in_dim3A_431 : vector<16xi1>, vector<16xf32>
          %add3A_433 = arith.addf %add3A_398, %select_n3A_432 : vector<16xf32>
          %lt3A_434 = arith.constant 0.99609369 : f32
          %lt3A_435 = vector.broadcast %lt3A_434 : f32 to vector<16xf32>
          %lt3A_436 = arith.cmpf olt, %get3A_421, %lt3A_435 : vector<16xf32>
          %jit3A_437 = arith.constant 1.000000e+00 : f32
          %jit3A_438 = arith.constant 0.000000e+00 : f32
          %broadcast_in_dim3A_439 = vector.broadcast %jit3A_437 : f32 to vector<16xf32>
          %broadcast_in_dim3A_440 = vector.broadcast %jit3A_438 : f32 to vector<16xf32>
          %select_n3A_441 = arith.select %lt3A_436, %broadcast_in_dim3A_439, %broadcast_in_dim3A_440 : vector<16xi1>, vector<16xf32>
          %add3A_442 = arith.addf %add3A_407, %select_n3A_441 : vector<16xf32>
          %scan3A_443 = arith.constant 10 : i32
          %scan3A_444 = arith.addi %scan3A_95, %scan3A_443 : i32
          %mul3A_445 = arith.constant 16 : i32
          %mul3A_446 = arith.muli %scan3A_444, %mul3A_445 : i32
          %get3A_447 = arith.index_cast %scan3A_85 : i32 to index
          %get3A_448 = arith.index_cast %mul3A_446 : i32 to index
          %get3A_449 = tpu.vector_load %arg7[%get3A_447, %get3A_448] {strides = array<i32>} : memref<48x512xf32, #tpu.memory_space<vmem>>, vector<1x16xf32>,
          %get3A_450 = vector.shape_cast %get3A_449 : vector<1x16xf32> to vector<16xf32>
          %mul3A_451 = arith.constant 16 : i32
          %mul3A_452 = arith.muli %scan3A_444, %mul3A_451 : i32
          %get3A_453 = arith.index_cast %scan3A_85 : i32 to index
          %get3A_454 = arith.index_cast %mul3A_452 : i32 to index
          %get3A_455 = tpu.vector_load %arg8[%get3A_453, %get3A_454] {strides = array<i32>} : memref<48x512xf32, #tpu.memory_space<vmem>>, vector<1x16xf32>,
          %get3A_456 = vector.shape_cast %get3A_455 : vector<1x16xf32> to vector<16xf32>
          %sub3A_457 = arith.subf %get3A_450, %get3A_456 : vector<16xf32>
          %mul3A_458 = arith.mulf %sub3A_457, %sub3A_457 : vector<16xf32>
          %add3A_459 = arith.addf %add3A_424, %mul3A_458 : vector<16xf32>
          %lt3A_460 = arith.constant 0.99609369 : f32
          %lt3A_461 = vector.broadcast %lt3A_460 : f32 to vector<16xf32>
          %lt3A_462 = arith.cmpf olt, %get3A_450, %lt3A_461 : vector<16xf32>
          %jit3A_463 = arith.constant 1.000000e+00 : f32
          %jit3A_464 = arith.constant 0.000000e+00 : f32
          %broadcast_in_dim3A_465 = vector.broadcast %jit3A_463 : f32 to vector<16xf32>
          %broadcast_in_dim3A_466 = vector.broadcast %jit3A_464 : f32 to vector<16xf32>
          %select_n3A_467 = arith.select %lt3A_462, %broadcast_in_dim3A_465, %broadcast_in_dim3A_466 : vector<16xi1>, vector<16xf32>
          %add3A_468 = arith.addf %add3A_433, %select_n3A_467 : vector<16xf32>
          %lt3A_469 = arith.constant 0.99609369 : f32
          %lt3A_470 = vector.broadcast %lt3A_469 : f32 to vector<16xf32>
          %lt3A_471 = arith.cmpf olt, %get3A_456, %lt3A_470 : vector<16xf32>
          %jit3A_472 = arith.constant 1.000000e+00 : f32
          %jit3A_473 = arith.constant 0.000000e+00 : f32
          %broadcast_in_dim3A_474 = vector.broadcast %jit3A_472 : f32 to vector<16xf32>
          %broadcast_in_dim3A_475 = vector.broadcast %jit3A_473 : f32 to vector<16xf32>
          %select_n3A_476 = arith.select %lt3A_471, %broadcast_in_dim3A_474, %broadcast_in_dim3A_475 : vector<16xi1>, vector<16xf32>
          %add3A_477 = arith.addf %add3A_442, %select_n3A_476 : vector<16xf32>
          %scan3A_478 = arith.constant 11 : i32
          %scan3A_479 = arith.addi %scan3A_95, %scan3A_478 : i32
          %mul3A_480 = arith.constant 16 : i32
          %mul3A_481 = arith.muli %scan3A_479, %mul3A_480 : i32
          %get3A_482 = arith.index_cast %scan3A_85 : i32 to index
          %get3A_483 = arith.index_cast %mul3A_481 : i32 to index
          %get3A_484 = tpu.vector_load %arg7[%get3A_482, %get3A_483] {strides = array<i32>} : memref<48x512xf32, #tpu.memory_space<vmem>>, vector<1x16xf32>,
          %get3A_485 = vector.shape_cast %get3A_484 : vector<1x16xf32> to vector<16xf32>
          %mul3A_486 = arith.constant 16 : i32
          %mul3A_487 = arith.muli %scan3A_479, %mul3A_486 : i32
          %get3A_488 = arith.index_cast %scan3A_85 : i32 to index
          %get3A_489 = arith.index_cast %mul3A_487 : i32 to index
          %get3A_490 = tpu.vector_load %arg8[%get3A_488, %get3A_489] {strides = array<i32>} : memref<48x512xf32, #tpu.memory_space<vmem>>, vector<1x16xf32>,
          %get3A_491 = vector.shape_cast %get3A_490 : vector<1x16xf32> to vector<16xf32>
          %sub3A_492 = arith.subf %get3A_485, %get3A_491 : vector<16xf32>
          %mul3A_493 = arith.mulf %sub3A_492, %sub3A_492 : vector<16xf32>
          %add3A_494 = arith.addf %add3A_459, %mul3A_493 : vector<16xf32>
          %lt3A_495 = arith.constant 0.99609369 : f32
          %lt3A_496 = vector.broadcast %lt3A_495 : f32 to vector<16xf32>
          %lt3A_497 = arith.cmpf olt, %get3A_485, %lt3A_496 : vector<16xf32>
          %jit3A_498 = arith.constant 1.000000e+00 : f32
          %jit3A_499 = arith.constant 0.000000e+00 : f32
          %broadcast_in_dim3A_500 = vector.broadcast %jit3A_498 : f32 to vector<16xf32>
          %broadcast_in_dim3A_501 = vector.broadcast %jit3A_499 : f32 to vector<16xf32>
          %select_n3A_502 = arith.select %lt3A_497, %broadcast_in_dim3A_500, %broadcast_in_dim3A_501 : vector<16xi1>, vector<16xf32>
          %add3A_503 = arith.addf %add3A_468, %select_n3A_502 : vector<16xf32>
          %lt3A_504 = arith.constant 0.99609369 : f32
          %lt3A_505 = vector.broadcast %lt3A_504 : f32 to vector<16xf32>
          %lt3A_506 = arith.cmpf olt, %get3A_491, %lt3A_505 : vector<16xf32>
          %jit3A_507 = arith.constant 1.000000e+00 : f32
          %jit3A_508 = arith.constant 0.000000e+00 : f32
          %broadcast_in_dim3A_509 = vector.broadcast %jit3A_507 : f32 to vector<16xf32>
          %broadcast_in_dim3A_510 = vector.broadcast %jit3A_508 : f32 to vector<16xf32>
          %select_n3A_511 = arith.select %lt3A_506, %broadcast_in_dim3A_509, %broadcast_in_dim3A_510 : vector<16xi1>, vector<16xf32>
          %add3A_512 = arith.addf %add3A_477, %select_n3A_511 : vector<16xf32>
          %scan3A_513 = arith.constant 12 : i32
          %scan3A_514 = arith.addi %scan3A_95, %scan3A_513 : i32
          %mul3A_515 = arith.constant 16 : i32
          %mul3A_516 = arith.muli %scan3A_514, %mul3A_515 : i32
          %get3A_517 = arith.index_cast %scan3A_85 : i32 to index
          %get3A_518 = arith.index_cast %mul3A_516 : i32 to index
          %get3A_519 = tpu.vector_load %arg7[%get3A_517, %get3A_518] {strides = array<i32>} : memref<48x512xf32, #tpu.memory_space<vmem>>, vector<1x16xf32>,
          %get3A_520 = vector.shape_cast %get3A_519 : vector<1x16xf32> to vector<16xf32>
          %mul3A_521 = arith.constant 16 : i32
          %mul3A_522 = arith.muli %scan3A_514, %mul3A_521 : i32
          %get3A_523 = arith.index_cast %scan3A_85 : i32 to index
          %get3A_524 = arith.index_cast %mul3A_522 : i32 to index
          %get3A_525 = tpu.vector_load %arg8[%get3A_523, %get3A_524] {strides = array<i32>} : memref<48x512xf32, #tpu.memory_space<vmem>>, vector<1x16xf32>,
          %get3A_526 = vector.shape_cast %get3A_525 : vector<1x16xf32> to vector<16xf32>
          %sub3A_527 = arith.subf %get3A_520, %get3A_526 : vector<16xf32>
          %mul3A_528 = arith.mulf %sub3A_527, %sub3A_527 : vector<16xf32>
          %add3A_529 = arith.addf %add3A_494, %mul3A_528 : vector<16xf32>
          %lt3A_530 = arith.constant 0.99609369 : f32
          %lt3A_531 = vector.broadcast %lt3A_530 : f32 to vector<16xf32>
          %lt3A_532 = arith.cmpf olt, %get3A_520, %lt3A_531 : vector<16xf32>
          %jit3A_533 = arith.constant 1.000000e+00 : f32
          %jit3A_534 = arith.constant 0.000000e+00 : f32
          %broadcast_in_dim3A_535 = vector.broadcast %jit3A_533 : f32 to vector<16xf32>
          %broadcast_in_dim3A_536 = vector.broadcast %jit3A_534 : f32 to vector<16xf32>
          %select_n3A_537 = arith.select %lt3A_532, %broadcast_in_dim3A_535, %broadcast_in_dim3A_536 : vector<16xi1>, vector<16xf32>
          %add3A_538 = arith.addf %add3A_503, %select_n3A_537 : vector<16xf32>
          %lt3A_539 = arith.constant 0.99609369 : f32
          %lt3A_540 = vector.broadcast %lt3A_539 : f32 to vector<16xf32>
          %lt3A_541 = arith.cmpf olt, %get3A_526, %lt3A_540 : vector<16xf32>
          %jit3A_542 = arith.constant 1.000000e+00 : f32
          %jit3A_543 = arith.constant 0.000000e+00 : f32
          %broadcast_in_dim3A_544 = vector.broadcast %jit3A_542 : f32 to vector<16xf32>
          %broadcast_in_dim3A_545 = vector.broadcast %jit3A_543 : f32 to vector<16xf32>
          %select_n3A_546 = arith.select %lt3A_541, %broadcast_in_dim3A_544, %broadcast_in_dim3A_545 : vector<16xi1>, vector<16xf32>
          %add3A_547 = arith.addf %add3A_512, %select_n3A_546 : vector<16xf32>
          %scan3A_548 = arith.constant 13 : i32
          %scan3A_549 = arith.addi %scan3A_95, %scan3A_548 : i32
          %mul3A_550 = arith.constant 16 : i32
          %mul3A_551 = arith.muli %scan3A_549, %mul3A_550 : i32
          %get3A_552 = arith.index_cast %scan3A_85 : i32 to index
          %get3A_553 = arith.index_cast %mul3A_551 : i32 to index
          %get3A_554 = tpu.vector_load %arg7[%get3A_552, %get3A_553] {strides = array<i32>} : memref<48x512xf32, #tpu.memory_space<vmem>>, vector<1x16xf32>,
          %get3A_555 = vector.shape_cast %get3A_554 : vector<1x16xf32> to vector<16xf32>
          %mul3A_556 = arith.constant 16 : i32
          %mul3A_557 = arith.muli %scan3A_549, %mul3A_556 : i32
          %get3A_558 = arith.index_cast %scan3A_85 : i32 to index
          %get3A_559 = arith.index_cast %mul3A_557 : i32 to index
          %get3A_560 = tpu.vector_load %arg8[%get3A_558, %get3A_559] {strides = array<i32>} : memref<48x512xf32, #tpu.memory_space<vmem>>, vector<1x16xf32>,
          %get3A_561 = vector.shape_cast %get3A_560 : vector<1x16xf32> to vector<16xf32>
          %sub3A_562 = arith.subf %get3A_555, %get3A_561 : vector<16xf32>
          %mul3A_563 = arith.mulf %sub3A_562, %sub3A_562 : vector<16xf32>
          %add3A_564 = arith.addf %add3A_529, %mul3A_563 : vector<16xf32>
          %lt3A_565 = arith.constant 0.99609369 : f32
          %lt3A_566 = vector.broadcast %lt3A_565 : f32 to vector<16xf32>
          %lt3A_567 = arith.cmpf olt, %get3A_555, %lt3A_566 : vector<16xf32>
          %jit3A_568 = arith.constant 1.000000e+00 : f32
          %jit3A_569 = arith.constant 0.000000e+00 : f32
          %broadcast_in_dim3A_570 = vector.broadcast %jit3A_568 : f32 to vector<16xf32>
          %broadcast_in_dim3A_571 = vector.broadcast %jit3A_569 : f32 to vector<16xf32>
          %select_n3A_572 = arith.select %lt3A_567, %broadcast_in_dim3A_570, %broadcast_in_dim3A_571 : vector<16xi1>, vector<16xf32>
          %add3A_573 = arith.addf %add3A_538, %select_n3A_572 : vector<16xf32>
          %lt3A_574 = arith.constant 0.99609369 : f32
          %lt3A_575 = vector.broadcast %lt3A_574 : f32 to vector<16xf32>
          %lt3A_576 = arith.cmpf olt, %get3A_561, %lt3A_575 : vector<16xf32>
          %jit3A_577 = arith.constant 1.000000e+00 : f32
          %jit3A_578 = arith.constant 0.000000e+00 : f32
          %broadcast_in_dim3A_579 = vector.broadcast %jit3A_577 : f32 to vector<16xf32>
          %broadcast_in_dim3A_580 = vector.broadcast %jit3A_578 : f32 to vector<16xf32>
          %select_n3A_581 = arith.select %lt3A_576, %broadcast_in_dim3A_579, %broadcast_in_dim3A_580 : vector<16xi1>, vector<16xf32>
          %add3A_582 = arith.addf %add3A_547, %select_n3A_581 : vector<16xf32>
          %scan3A_583 = arith.constant 14 : i32
          %scan3A_584 = arith.addi %scan3A_95, %scan3A_583 : i32
          %mul3A_585 = arith.constant 16 : i32
          %mul3A_586 = arith.muli %scan3A_584, %mul3A_585 : i32
          %get3A_587 = arith.index_cast %scan3A_85 : i32 to index
          %get3A_588 = arith.index_cast %mul3A_586 : i32 to index
          %get3A_589 = tpu.vector_load %arg7[%get3A_587, %get3A_588] {strides = array<i32>} : memref<48x512xf32, #tpu.memory_space<vmem>>, vector<1x16xf32>,
          %get3A_590 = vector.shape_cast %get3A_589 : vector<1x16xf32> to vector<16xf32>
          %mul3A_591 = arith.constant 16 : i32
          %mul3A_592 = arith.muli %scan3A_584, %mul3A_591 : i32
          %get3A_593 = arith.index_cast %scan3A_85 : i32 to index
          %get3A_594 = arith.index_cast %mul3A_592 : i32 to index
          %get3A_595 = tpu.vector_load %arg8[%get3A_593, %get3A_594] {strides = array<i32>} : memref<48x512xf32, #tpu.memory_space<vmem>>, vector<1x16xf32>,
          %get3A_596 = vector.shape_cast %get3A_595 : vector<1x16xf32> to vector<16xf32>
          %sub3A_597 = arith.subf %get3A_590, %get3A_596 : vector<16xf32>
          %mul3A_598 = arith.mulf %sub3A_597, %sub3A_597 : vector<16xf32>
          %add3A_599 = arith.addf %add3A_564, %mul3A_598 : vector<16xf32>
          %lt3A_600 = arith.constant 0.99609369 : f32
          %lt3A_601 = vector.broadcast %lt3A_600 : f32 to vector<16xf32>
          %lt3A_602 = arith.cmpf olt, %get3A_590, %lt3A_601 : vector<16xf32>
          %jit3A_603 = arith.constant 1.000000e+00 : f32
          %jit3A_604 = arith.constant 0.000000e+00 : f32
          %broadcast_in_dim3A_605 = vector.broadcast %jit3A_603 : f32 to vector<16xf32>
          %broadcast_in_dim3A_606 = vector.broadcast %jit3A_604 : f32 to vector<16xf32>
          %select_n3A_607 = arith.select %lt3A_602, %broadcast_in_dim3A_605, %broadcast_in_dim3A_606 : vector<16xi1>, vector<16xf32>
          %add3A_608 = arith.addf %add3A_573, %select_n3A_607 : vector<16xf32>
          %lt3A_609 = arith.constant 0.99609369 : f32
          %lt3A_610 = vector.broadcast %lt3A_609 : f32 to vector<16xf32>
          %lt3A_611 = arith.cmpf olt, %get3A_596, %lt3A_610 : vector<16xf32>
          %jit3A_612 = arith.constant 1.000000e+00 : f32
          %jit3A_613 = arith.constant 0.000000e+00 : f32
          %broadcast_in_dim3A_614 = vector.broadcast %jit3A_612 : f32 to vector<16xf32>
          %broadcast_in_dim3A_615 = vector.broadcast %jit3A_613 : f32 to vector<16xf32>
          %select_n3A_616 = arith.select %lt3A_611, %broadcast_in_dim3A_614, %broadcast_in_dim3A_615 : vector<16xi1>, vector<16xf32>
          %add3A_617 = arith.addf %add3A_582, %select_n3A_616 : vector<16xf32>
          %scan3A_618 = arith.constant 15 : i32
          %scan3A_619 = arith.addi %scan3A_95, %scan3A_618 : i32
          %mul3A_620 = arith.constant 16 : i32
          %mul3A_621 = arith.muli %scan3A_619, %mul3A_620 : i32
          %get3A_622 = arith.index_cast %scan3A_85 : i32 to index
          %get3A_623 = arith.index_cast %mul3A_621 : i32 to index
          %get3A_624 = tpu.vector_load %arg7[%get3A_622, %get3A_623] {strides = array<i32>} : memref<48x512xf32, #tpu.memory_space<vmem>>, vector<1x16xf32>,
          %get3A_625 = vector.shape_cast %get3A_624 : vector<1x16xf32> to vector<16xf32>
          %mul3A_626 = arith.constant 16 : i32
          %mul3A_627 = arith.muli %scan3A_619, %mul3A_626 : i32
          %get3A_628 = arith.index_cast %scan3A_85 : i32 to index
          %get3A_629 = arith.index_cast %mul3A_627 : i32 to index
          %get3A_630 = tpu.vector_load %arg8[%get3A_628, %get3A_629] {strides = array<i32>} : memref<48x512xf32, #tpu.memory_space<vmem>>, vector<1x16xf32>,
          %get3A_631 = vector.shape_cast %get3A_630 : vector<1x16xf32> to vector<16xf32>
          %sub3A_632 = arith.subf %get3A_625, %get3A_631 : vector<16xf32>
          %mul3A_633 = arith.mulf %sub3A_632, %sub3A_632 : vector<16xf32>
          %add3A_634 = arith.addf %add3A_599, %mul3A_633 : vector<16xf32>
          %lt3A_635 = arith.constant 0.99609369 : f32
          %lt3A_636 = vector.broadcast %lt3A_635 : f32 to vector<16xf32>
          %lt3A_637 = arith.cmpf olt, %get3A_625, %lt3A_636 : vector<16xf32>
          %jit3A_638 = arith.constant 1.000000e+00 : f32
          %jit3A_639 = arith.constant 0.000000e+00 : f32
          %broadcast_in_dim3A_640 = vector.broadcast %jit3A_638 : f32 to vector<16xf32>
          %broadcast_in_dim3A_641 = vector.broadcast %jit3A_639 : f32 to vector<16xf32>
          %select_n3A_642 = arith.select %lt3A_637, %broadcast_in_dim3A_640, %broadcast_in_dim3A_641 : vector<16xi1>, vector<16xf32>
          %add3A_643 = arith.addf %add3A_608, %select_n3A_642 : vector<16xf32>
          %lt3A_644 = arith.constant 0.99609369 : f32
          %lt3A_645 = vector.broadcast %lt3A_644 : f32 to vector<16xf32>
          %lt3A_646 = arith.cmpf olt, %get3A_631, %lt3A_645 : vector<16xf32>
          %jit3A_647 = arith.constant 1.000000e+00 : f32
          %jit3A_648 = arith.constant 0.000000e+00 : f32
          %broadcast_in_dim3A_649 = vector.broadcast %jit3A_647 : f32 to vector<16xf32>
          %broadcast_in_dim3A_650 = vector.broadcast %jit3A_648 : f32 to vector<16xf32>
          %select_n3A_651 = arith.select %lt3A_646, %broadcast_in_dim3A_649, %broadcast_in_dim3A_650 : vector<16xi1>, vector<16xf32>
          %add3A_652 = arith.addf %add3A_617, %select_n3A_651 : vector<16xf32>
          scf.yield %add3A_634, %add3A_643, %add3A_652 : vector<16xf32>, vector<16xf32>, vector<16xf32>
        }
        %scan3A_94 = arith.constant 32 : i32
        scf.yield %scan3A_93#0, %scan3A_93#1, %scan3A_93#2 : vector<16xf32>, vector<16xf32>, vector<16xf32>
      }
      %scan3A_84 = arith.constant 48 : i32
      scf.yield %scan3A_83#0, %scan3A_83#1, %scan3A_83#2 : vector<16xf32>, vector<16xf32>, vector<16xf32>
    }
    %scan3A_17 = arith.constant 6 : i32
    %swap3A = arith.constant 0 : index
    %swap3A_18 = tpu.vector_load %arg9[%swap3A] {strides = array<i32>} : memref<48xf32, #tpu.memory_space<vmem>>, vector<16xf32>,
    %swap3A_19 = vector.shape_cast %swap3A_18 : vector<16xf32> to vector<16xf32>
    %swap3A_20 = vector.shape_cast %scan3A_16#0 : vector<16xf32> to vector<16xf32>
    tpu.vector_store %arg9[%swap3A], %swap3A_20 {strides = array<i32>} : memref<48xf32, #tpu.memory_space<vmem>>, vector<16xf32>,
    %swap3A_21 = arith.constant 16 : index
    %swap3A_22 = tpu.vector_load %arg9[%swap3A_21] {strides = array<i32>} : memref<48xf32, #tpu.memory_space<vmem>>, vector<16xf32>,
    %swap3A_23 = vector.shape_cast %swap3A_22 : vector<16xf32> to vector<16xf32>
    %swap3A_24 = vector.shape_cast %scan3A_16#1 : vector<16xf32> to vector<16xf32>
    tpu.vector_store %arg9[%swap3A_21], %swap3A_24 {strides = array<i32>} : memref<48xf32, #tpu.memory_space<vmem>>, vector<16xf32>,
    %swap3A_25 = arith.constant 32 : index
    %swap3A_26 = tpu.vector_load %arg9[%swap3A_25] {strides = array<i32>} : memref<48xf32, #tpu.memory_space<vmem>>, vector<16xf32>,
    %swap3A_27 = vector.shape_cast %swap3A_26 : vector<16xf32> to vector<16xf32>
    %swap3A_28 = vector.shape_cast %scan3A_16#2 : vector<16xf32> to vector<16xf32>
    tpu.vector_store %arg9[%swap3A_25], %swap3A_28 {strides = array<i32>} : memref<48xf32, #tpu.memory_space<vmem>>, vector<16xf32>,
    "tpu.region"() ({
      %run_scoped3A = tpu.sem_alloc : memref<!tpu.dma_semaphore, #tpu.memory_space<semaphore_mem>>
      %dma_start3A_29 = arith.constant 0 : i32
      %dma_start3A_30 = tpu.memref_slice %arg4[%add3A, %dma_start3A_29] : memref<32x48xf32, #tpu.memory_space<hbm>> -> memref<1x48xf32, #tpu.memory_space<hbm>>
      %dma_start3A_31 = tpu.memref_squeeze %dma_start3A_30 : memref<1x48xf32, #tpu.memory_space<hbm>> -> memref<48xf32, #tpu.memory_space<hbm>>
      %dma_start3A_32 = arith.constant 0 : i32
      %dma_start3A_33 = tpu.memref_slice %arg4[%add3A, %dma_start3A_32] : memref<32x48xf32, #tpu.memory_space<hbm>> -> memref<1x48xf32, #tpu.memory_space<hbm>>
      %dma_start3A_34 = tpu.memref_squeeze %dma_start3A_33 : memref<1x48xf32, #tpu.memory_space<hbm>> -> memref<48xf32, #tpu.memory_space<hbm>>
      tpu.enqueue_dma source(%arg9 : memref<48xf32, #tpu.memory_space<vmem>>) target(%dma_start3A_34 : memref<48xf32, #tpu.memory_space<hbm>>) target_semaphore(%run_scoped3A : memref<!tpu.dma_semaphore, #tpu.memory_space<semaphore_mem>>)
      %dma_wait3A = arith.constant 0 : i32
      %dma_wait3A_35 = tpu.memref_slice %arg4[%add3A, %dma_wait3A] : memref<32x48xf32, #tpu.memory_space<hbm>> -> memref<1x48xf32, #tpu.memory_space<hbm>>
      %dma_wait3A_36 = tpu.memref_squeeze %dma_wait3A_35 : memref<1x48xf32, #tpu.memory_space<hbm>> -> memref<48xf32, #tpu.memory_space<hbm>>
      %dma_wait3A_37 = arith.constant 0 : i32
      %dma_wait3A_38 = tpu.memref_slice %arg4[%add3A, %dma_wait3A_37] : memref<32x48xf32, #tpu.memory_space<hbm>> -> memref<1x48xf32, #tpu.memory_space<hbm>>
      %dma_wait3A_39 = tpu.memref_squeeze %dma_wait3A_38 : memref<1x48xf32, #tpu.memory_space<hbm>> -> memref<48xf32, #tpu.memory_space<hbm>>
      tpu.wait_dma2 semaphore(%run_scoped3A : memref<!tpu.dma_semaphore, #tpu.memory_space<semaphore_mem>>) src(%arg9 : memref<48xf32, #tpu.memory_space<vmem>>) dst(%dma_wait3A_39 : memref<48xf32, #tpu.memory_space<hbm>>)
      tpu.yield
    }) : () -> ()
    return
  }
}

module attributes {stable_mosaic.version = 14 : i64} {
  func.func @_tc_body(%arg0: i32, %arg1: memref<2048x512xf32, #tpu.memory_space<vmem>>, %arg2: memref<2048x512xf32, #tpu.memory_space<vmem>>, %arg3: memref<8x512xf32, #tpu.memory_space<vmem>>, %arg4: memref<8x512xf32, #tpu.memory_space<vmem>>, %arg5: memref<8x512xf32, #tpu.memory_space<vmem>>) attributes {dimension_semantics = [#tpu.dimension_semantics<arbitrary>], iteration_bounds = array<i64: 15>, scalar_prefetch = 0 : i64, scratch_operands = 0 : i64, tpu.core_type = #tpu.core_type<tc>, window_params = [{transform_indices = @transform_0, window_bounds = array<i64: 2048, 512>}, {transform_indices = @transform_1, window_bounds = array<i64: 2048, 512>}, {pipeline_mode = #tpu.pipeline_mode<synchronous>, transform_indices = @transform_2, window_bounds = array<i64: 8, 512>}, {pipeline_mode = #tpu.pipeline_mode<synchronous>, transform_indices = @transform_3, window_bounds = array<i64: 8, 512>}, {pipeline_mode = #tpu.pipeline_mode<synchronous>, transform_indices = @transform_4, window_bounds = array<i64: 8, 512>}]} {
    %eq3A = arith.constant 0 : i32
    %eq3A_0 = arith.cmpi eq, %arg0, %eq3A : i32
    %convert_element_type3A = arith.extui %eq3A_0 : i1 to i32
    %cond3A = arith.constant 0 : i32
    %cond3A_1 = arith.cmpi ne, %convert_element_type3A, %cond3A : i32
    scf.if %cond3A_1 {
      %broadcast_in_dim3A_45 = arith.constant 0.000000e+00 : f32
      %broadcast_in_dim3A_46 = vector.broadcast %broadcast_in_dim3A_45 : f32 to vector<8x512xf32>
      %swap3A_47 = arith.constant 0 : index
      %swap3A_48 = arith.constant 0 : index
      %swap3A_49 = vector.load %arg3[%swap3A_47, %swap3A_48] : memref<8x512xf32, #tpu.memory_space<vmem>>, vector<8x512xf32>
      tpu.vector_store %arg3[%swap3A_47, %swap3A_48], %broadcast_in_dim3A_46 {strides = array<i32>} : memref<8x512xf32, #tpu.memory_space<vmem>>, vector<8x512xf32>,
      %broadcast_in_dim3A_50 = arith.constant 0.000000e+00 : f32
      %broadcast_in_dim3A_51 = vector.broadcast %broadcast_in_dim3A_50 : f32 to vector<8x512xf32>
      %swap3A_52 = arith.constant 0 : index
      %swap3A_53 = arith.constant 0 : index
      %swap3A_54 = vector.load %arg4[%swap3A_52, %swap3A_53] : memref<8x512xf32, #tpu.memory_space<vmem>>, vector<8x512xf32>
      tpu.vector_store %arg4[%swap3A_52, %swap3A_53], %broadcast_in_dim3A_51 {strides = array<i32>} : memref<8x512xf32, #tpu.memory_space<vmem>>, vector<8x512xf32>,
      %broadcast_in_dim3A_55 = arith.constant 0.000000e+00 : f32
      %broadcast_in_dim3A_56 = vector.broadcast %broadcast_in_dim3A_55 : f32 to vector<8x512xf32>
      %swap3A_57 = arith.constant 0 : index
      %swap3A_58 = arith.constant 0 : index
      %swap3A_59 = vector.load %arg5[%swap3A_57, %swap3A_58] : memref<8x512xf32, #tpu.memory_space<vmem>>, vector<8x512xf32>
      tpu.vector_store %arg5[%swap3A_57, %swap3A_58], %broadcast_in_dim3A_56 {strides = array<i32>} : memref<8x512xf32, #tpu.memory_space<vmem>>, vector<8x512xf32>,
    } else {
    }
    %get3A = arith.constant 0 : index
    %get3A_2 = arith.constant 0 : index
    %get3A_3 = vector.load %arg1[%get3A, %get3A_2] : memref<2048x512xf32, #tpu.memory_space<vmem>>, vector<2048x512xf32>
    %get3A_4 = arith.constant 0 : index
    %get3A_5 = arith.constant 0 : index
    %get3A_6 = vector.load %arg2[%get3A_4, %get3A_5] : memref<2048x512xf32, #tpu.memory_space<vmem>>, vector<2048x512xf32>
    %sub3A = arith.subf %get3A_3, %get3A_6 : vector<2048x512xf32>
    %get3A_7 = arith.constant 0 : index
    %get3A_8 = arith.constant 0 : index
    %get3A_9 = vector.load %arg3[%get3A_7, %get3A_8] : memref<8x512xf32, #tpu.memory_space<vmem>>, vector<8x512xf32>
    %mul3A = arith.mulf %sub3A, %sub3A : vector<2048x512xf32>
    %reshape3A = vector.shape_cast %mul3A : vector<2048x512xf32> to vector<256x8x512xf32>
    %reduce_sum3A = arith.constant dense<0.000000e+00> : vector<8x512xf32>
    %reduce_sum3A_10 = vector.multi_reduction <add>, %reshape3A, %reduce_sum3A [0] : vector<256x8x512xf32> to vector<8x512xf32>
    %add3A = arith.addf %get3A_9, %reduce_sum3A_10 : vector<8x512xf32>
    %swap3A = arith.constant 0 : index
    %swap3A_11 = arith.constant 0 : index
    %swap3A_12 = vector.load %arg3[%swap3A, %swap3A_11] : memref<8x512xf32, #tpu.memory_space<vmem>>, vector<8x512xf32>
    tpu.vector_store %arg3[%swap3A, %swap3A_11], %add3A {strides = array<i32>} : memref<8x512xf32, #tpu.memory_space<vmem>>, vector<8x512xf32>,
    %get3A_13 = arith.constant 0 : index
    %get3A_14 = arith.constant 0 : index
    %get3A_15 = vector.load %arg4[%get3A_13, %get3A_14] : memref<8x512xf32, #tpu.memory_space<vmem>>, vector<8x512xf32>
    %lt3A = arith.constant 0.99609369 : f32
    %lt3A_16 = vector.broadcast %lt3A : f32 to vector<2048x512xf32>
    %lt3A_17 = arith.cmpf olt, %get3A_3, %lt3A_16 : vector<2048x512xf32>
    %jit3A = arith.constant 1.000000e+00 : f32
    %jit3A_18 = arith.constant 0.000000e+00 : f32
    %broadcast_in_dim3A = vector.broadcast %jit3A : f32 to vector<2048x512xf32>
    %broadcast_in_dim3A_19 = vector.broadcast %jit3A_18 : f32 to vector<2048x512xf32>
    %select_n3A = arith.select %lt3A_17, %broadcast_in_dim3A, %broadcast_in_dim3A_19 : vector<2048x512xi1>, vector<2048x512xf32>
    %reshape3A_20 = vector.shape_cast %select_n3A : vector<2048x512xf32> to vector<256x8x512xf32>
    %reduce_sum3A_21 = arith.constant dense<0.000000e+00> : vector<8x512xf32>
    %reduce_sum3A_22 = vector.multi_reduction <add>, %reshape3A_20, %reduce_sum3A_21 [0] : vector<256x8x512xf32> to vector<8x512xf32>
    %add3A_23 = arith.addf %get3A_15, %reduce_sum3A_22 : vector<8x512xf32>
    %swap3A_24 = arith.constant 0 : index
    %swap3A_25 = arith.constant 0 : index
    %swap3A_26 = vector.load %arg4[%swap3A_24, %swap3A_25] : memref<8x512xf32, #tpu.memory_space<vmem>>, vector<8x512xf32>
    tpu.vector_store %arg4[%swap3A_24, %swap3A_25], %add3A_23 {strides = array<i32>} : memref<8x512xf32, #tpu.memory_space<vmem>>, vector<8x512xf32>,
    %get3A_27 = arith.constant 0 : index
    %get3A_28 = arith.constant 0 : index
    %get3A_29 = vector.load %arg5[%get3A_27, %get3A_28] : memref<8x512xf32, #tpu.memory_space<vmem>>, vector<8x512xf32>
    %lt3A_30 = arith.constant 0.99609369 : f32
    %lt3A_31 = vector.broadcast %lt3A_30 : f32 to vector<2048x512xf32>
    %lt3A_32 = arith.cmpf olt, %get3A_6, %lt3A_31 : vector<2048x512xf32>
    %jit3A_33 = arith.constant 1.000000e+00 : f32
    %jit3A_34 = arith.constant 0.000000e+00 : f32
    %broadcast_in_dim3A_35 = vector.broadcast %jit3A_33 : f32 to vector<2048x512xf32>
    %broadcast_in_dim3A_36 = vector.broadcast %jit3A_34 : f32 to vector<2048x512xf32>
    %select_n3A_37 = arith.select %lt3A_32, %broadcast_in_dim3A_35, %broadcast_in_dim3A_36 : vector<2048x512xi1>, vector<2048x512xf32>
    %reshape3A_38 = vector.shape_cast %select_n3A_37 : vector<2048x512xf32> to vector<256x8x512xf32>
    %reduce_sum3A_39 = arith.constant dense<0.000000e+00> : vector<8x512xf32>
    %reduce_sum3A_40 = vector.multi_reduction <add>, %reshape3A_38, %reduce_sum3A_39 [0] : vector<256x8x512xf32> to vector<8x512xf32>
    %add3A_41 = arith.addf %get3A_29, %reduce_sum3A_40 : vector<8x512xf32>
    %swap3A_42 = arith.constant 0 : index
    %swap3A_43 = arith.constant 0 : index
    %swap3A_44 = vector.load %arg5[%swap3A_42, %swap3A_43] : memref<8x512xf32, #tpu.memory_space<vmem>>, vector<8x512xf32>
    tpu.vector_store %arg5[%swap3A_42, %swap3A_43], %add3A_41 {strides = array<i32>} : memref<8x512xf32, #tpu.memory_space<vmem>>, vector<8x512xf32>,
    return
  }
  func.func @transform_0(%arg0: i32) -> (i32, i32) {
    %add3A = arith.constant 9 : i32
    %add3A_0 = arith.addi %arg0, %add3A : i32
    %c0_i32 = arith.constant 0 : i32
    %c0_i32_1 = arith.constant 0 : i32
    return %add3A_0, %c0_i32 : i32, i32
  }
  func.func @transform_1(%arg0: i32) -> (i32, i32) {
    %add3A = arith.constant 9 : i32
    %add3A_0 = arith.addi %arg0, %add3A : i32
    %c0_i32 = arith.constant 0 : i32
    %c0_i32_1 = arith.constant 0 : i32
    return %add3A_0, %c0_i32 : i32, i32
  }
  func.func @transform_2(%arg0: i32) -> (i32, i32) {
    %c0_i32 = arith.constant 0 : i32
    %c0_i32_0 = arith.constant 0 : i32
    %c0_i32_1 = arith.constant 0 : i32
    return %c0_i32, %c0_i32_0 : i32, i32
  }
  func.func @transform_3(%arg0: i32) -> (i32, i32) {
    %c0_i32 = arith.constant 0 : i32
    %c0_i32_0 = arith.constant 0 : i32
    %c0_i32_1 = arith.constant 0 : i32
    return %c0_i32, %c0_i32_0 : i32, i32
  }
  func.func @transform_4(%arg0: i32) -> (i32, i32) {
    %c0_i32 = arith.constant 0 : i32
    %c0_i32_0 = arith.constant 0 : i32
    %c0_i32_1 = arith.constant 0 : i32
    return %c0_i32, %c0_i32_0 : i32, i32
  }
}

</mosaic_0001>

<sc_bundles>
// kernel: _loss.4.cloned.1.call-start
scs
__scs_entry_jumppad:
0x0: {  	(pc) =	sbr.rel $0x88, $3  }
0x1: {  	(tag) =	ssettag $0x0;
	lr =	simm.s32 $0x1  }
0x2: {  	[smem:$0x3F9D] =	sst lr;
	_ =	strace $0xD0000000  }
0x3: {  	_ = 	snop  }
0x4: {  	_ = 	snop  }
0x5: {  	_ = 	snop  }
0x6: {  	_ = 	snop  }
0x7: {  	_ = 	snop  }
__scs_overlays_trampoline_lowered:
0x8: {  	[smem:$0x3FAC] =	sst s0  }
0x9: {  	[smem:$0x3FAD] =	sst s1  }
0xa: {  	[smem:$0x3FAE] =	sst s2  }
0xb: {  	[smem:$0x3FAF] =	sst s3  }
0xc: {  	[smem:$0x3FB0] =	sst s4  }
0xd: {  	[smem:$0x3FB1] =	sst s5  }
0xe: {  	[smem:$0x3FB2] =	sst s6  }
0xf: {  	[smem:$0x3FB3] =	sst s7  }
0x10: {  	[smem:$0x3FB4] =	sst s8  }
0x11: {  	[smem:$0x3FB5] =	sst s9;
	s0 =	simm.s32 @!p0 $0x0  }
0x12: {  	s1 =	sld [smem:$0x3F9B];
	s0 =	simm.s32 @p0 $0x1  }
0x13: {  	[smem:$0x3FB6] =	sst s0;
	s0 =	simm.s32 @!p1 $0x0  }
0x14: {  	s2 =	sld [smem:$0x3F9A];
	s0 =	simm.s32 @p1 $0x1  }
0x15: {  	[smem:$0x3FB7] =	sst s0;
	s0 =	simm.s32 @!p2 $0x0  }
0x16: {  	s3 =	sld [smem:$0x3FDB];
	s0 =	simm.s32 @p2 $0x1  }
0x17: {  	s4 =	simm.s32 $0x1BF5;
	[smem:$0x3FB9] =	sst s0  }
0x18: {  	s0 =	sld [smem:$0x3F9C];
	_ =	swait.ge [sflag:s4], $0x0  }
0x19: {  	s7 =	sld [smem:$0x3F9D]  }
0x1a: {  	s8 =	sadd.s32 $0xFFFFE003, lr  }
0x1b: {  	s9 =	sadd.s32 $0xFFFFFEF7, lr;
	s5 =	simm.s32 $0xFFFFFFFF;
	p2 =	slt.u32 s8, $0xFFFFF086  }
0x1c: {  	p1 =	slt.u32 s9, $0xF7A;
	s5 =	simm.s32 @!p2 $0x0  }
0x1d: {  	s5 =	simm.s32 @p1 $0x1;
	p0 =	seq.s32 s7, s2  }
0x1e: {  	s7 =	smul.u32 @!p0 $0xF7A, s2;
	p2 =	seq.s32 @!p0 s5, $0x0  }
0x1f: {  	s9 =	smul.u32 $0xF7A, s1;
	s8 =	simm.s32 @!p0 $0x1BF5;
	p2 =	por !p2, p0  }
0x20: {  	[sflag:s8] =	ssyncset.s32 @!p0 $0xFFFFF086;
	s6 =	sadd.s32 @!p0 s3, s7;
	s7 =	simm.s32 @!p0 $0x108  }
0x21: {  	s3 =	sadd.s32 s3, s9;
	s6 =	sadd.s32 @!p0 $0x88, s6;
	s7 =	simm.s32 @p2 $0x1082  }
0x22: {  	[simem:s7], [sflag:s8] =	dma.local @!p0 [hbm:s6], $0xF7A  }
0x23: {  	s9 =	sor.u32 $0xD0000000, s2;
	s6 =	simm.s32 $0x108;
	_ =	swait.ge @!p0 [sflag:s8], $0x0  }
0x24: {  	s3 =	sadd.s32 $0x88, s3;
	s6 =	simm.s32 @!p1 $0x1082;
	[sflag:s4] =	ssyncset.s32 $0xFFFFF086  }
0x25: {  	[simem:s6], [sflag:s4] =	dma.local [hbm:s3], $0xF7A  }
0x26: {  	[smem:$0x3F9D] =	sst s1;
	(tag) =	ssettag s2;
	_ =	strace s9  }
0x27: {  	s1 =	sld [smem:$0x3FAD]  }
0x28: {  	s2 =	sld [smem:$0x3FAE]  }
0x29: {  	s4 =	sld [smem:$0x3FB0]  }
0x2a: {  	p0 =	seq.s32 s5, $0x0;
	s5 =	sld [smem:$0x3FB1]  }
0x2b: {  	s6 =	sld [smem:$0x3FB2]  }
0x2c: {  	s7 =	sld [smem:$0x3FB3]  }
0x2d: {  	s3 =	simm.s32 $0x108;
	s8 =	sld [smem:$0x3FB4]  }
0x2e: {  	s3 =	simm.s32 @!p0 $0x1082;
	s9 =	sld [smem:$0x3FB5]  }
0x2f: {  	lr =	sadd.s32 s0, s3;
	s0 =	sld [smem:$0x3FAC]  }
0x30: {  	s3 =	sld [smem:$0x3FAF]  }
0x31: {  	[smem:$0x3FB8] =	sst s10  }
0x32: {  	s10 =	sld [smem:$0x3FB6];
	_ =	sdelay $0x3  }
0x33: {  	p0 =	seq.s32 s10, $0x1;
	s10 =	sld [smem:$0x3FB8];
	_ =	sdelay $0x3  }
0x34: {  	[smem:$0x3FB8] =	sst s10  }
0x35: {  	s10 =	sld [smem:$0x3FB7];
	_ =	sdelay $0x3  }
0x36: {  	p1 =	seq.s32 s10, $0x1;
	s10 =	sld [smem:$0x3FB8];
	_ =	sdelay $0x3  }
0x37: {  	[smem:$0x3FB8] =	sst s10  }
0x38: {  	s10 =	sld [smem:$0x3FB9]  }
0x39: {  	_ = 	snop;
	(pc) =	sbr.ind lr, $3  }
0x3a: {  	_ = 	snop  }
0x3b: {  	_ = 	snop  }
0x3c: {  	p2 =	seq.s32 s10, $0x1;
	s10 =	sld [smem:$0x3FB8]  }
0x3d: {  	_ =	shalt  }
0x3e: {  	_ =	shalt  }
0x3f: {  	_ =	shalt  }
0x40: {  	_ =	shalt  }
0x41: {  	_ =	shalt  }
0x42: {  	_ =	shalt  }
0x43: {  	_ =	shalt  }
0x44: {  	_ =	shalt  }
0x45: {  	_ =	shalt  }
0x46: {  	_ =	shalt  }
0x47: {  	_ =	shalt  }
0x48: {  	_ =	shalt  }
0x49: {  	_ =	shalt  }
0x4a: {  	_ =	shalt  }
0x4b: {  	_ =	shalt  }
0x4c: {  	_ =	shalt  }
0x4d: {  	_ =	shalt  }
0x4e: {  	_ =	shalt  }
0x4f: {  	_ =	shalt  }
0x50: {  	_ =	shalt  }
0x51: {  	_ =	shalt  }
0x52: {  	_ =	shalt  }
0x53: {  	_ =	shalt  }
0x54: {  	_ =	shalt  }
0x55: {  	_ =	shalt  }
0x56: {  	_ =	shalt  }
0x57: {  	_ =	shalt  }
0x58: {  	_ =	shalt  }
0x59: {  	_ =	shalt  }
0x5a: {  	_ =	shalt  }
0x5b: {  	_ =	shalt  }
0x5c: {  	_ =	shalt  }
0x5d: {  	_ =	shalt  }
0x5e: {  	_ =	shalt  }
0x5f: {  	_ =	shalt  }
0x60: {  	_ =	shalt  }
0x61: {  	_ =	shalt  }
0x62: {  	_ =	shalt  }
0x63: {  	_ =	shalt  }
0x64: {  	_ =	shalt  }
0x65: {  	_ =	shalt  }
0x66: {  	_ =	shalt  }
0x67: {  	_ =	shalt  }
0x68: {  	_ =	shalt  }
0x69: {  	_ =	shalt  }
0x6a: {  	_ =	shalt  }
0x6b: {  	_ =	shalt  }
0x6c: {  	_ =	shalt  }
0x6d: {  	_ =	shalt  }
0x6e: {  	_ =	shalt  }
0x6f: {  	_ =	shalt  }
0x70: {  	_ =	shalt  }
0x71: {  	_ =	shalt  }
0x72: {  	_ =	shalt  }
0x73: {  	_ =	shalt  }
0x74: {  	_ =	shalt  }
0x75: {  	_ =	shalt  }
0x76: {  	_ =	shalt  }
0x77: {  	_ =	shalt  }
0x78: {  	_ =	shalt  }
0x79: {  	_ =	shalt  }
0x7a: {  	_ =	shalt  }
0x7b: {  	_ =	shalt  }
0x7c: {  	_ =	shalt  }
0x7d: {  	_ =	shalt  }
0x7e: {  	_ =	shalt  }
0x7f: {  	_ =	shalt  }
0x80: {  	_ =	shalt  }
0x81: {  	_ =	shalt  }
0x82: {  	_ =	shalt  }
0x83: {  	_ =	shalt  }
0x84: {  	_ =	shalt  }
0x85: {  	_ =	shalt  }
0x86: {  	_ =	shalt  }
0x87: {  	_ =	shalt  }
.Lfunc_end0:
.L_simem_size_0:
called_computation_lowered:
.L_overlay_start_0:
0x88: {  	s2 =	sld [smem:$0x3FD9]  }
0x89: {  	s3 =	sld [smem:$0x3FFE];
	_ =	sdelay $0x1  }
0x8a: {  	s1 =	srdreg.scid  }
0x8b: {  	s0 =	sand.u32 $0x1, s1  }
0x8c: {  	s17 =	sshll.u32 s0, $0xA;
	s2 =	sadd.s32 s3, s2  }
0x8d: {  	s2 =	sadd.s32 s2, s17  }
0x8e: {  	[smem:$0x3FC4] =	sst s2  }
0x8f: {  	_ = 	snop  }
0x90: {  	s2 =	sld [smem:$0x3FC9]  }
0x91: {  	s18 =	sld [smem:$0x3FC8];
	(tm) =	ssettm $0x1  }
0x92: {  	s4 =	sld [smem:$0x3FFB];
	_ =	sdelay $0x3  }
0x93: {  	_ =	strace s4  }
0x94: {  	s4 =	sld [smem:$0x3FFC];
	_ =	sdelay $0x3  }
0x95: {  	_ =	strace s4  }
0x96: {  	s4 =	sld [smem:$0x3FFD];
	_ =	sdelay $0x3  }
0x97: {  	_ =	strace s4  }
0x98: {  	_ =	strace $0x8FFFFFFF  }
0x99: {  	s19 =	sld [smem:$0x3FDB];
	_ =	sdelay $0x1  }
0x9a: {  	s5 =	simm.s32 $_scs_section_size  }
0x9b: {  	s6 =	simm.s32 $_size__tile_overlayer_lowered;
	s7 =	simm.s32 $_tile_overlayer_lowered  }
0x9c: {  	s22 =	simm.s32 $0x1BFF;
	s21 =	sshll.u32 s7, $0x1;
	s4 =	sadd.s32 s5, s19  }
0x9d: {  	s8 =	simm.s32 $0x0;
	s20 =	sshll.u32 s6, $0x1;
	s6 =	sadd.s32 s21, s4  }
0x9e: {  	[timem:s8], [sflag:s22] =	dma.local [hbm:s6], s20  }
0x9f: {  	_ =	swait.ge [sflag:s22], s20  }
0xa0: {  	s5 =	ssub.s32 $0x0, s20;
	[sflag:s22] =	ssyncset.done $0x0  }
0xa1: {  	[sflag:s22] =	ssyncadd.s32 s5;
	_ =	sdelay $0x1  }
0xa2: {  	s23 =	simm.s32 $0x1B8B  }
0xa3: {  	_ =	swait.ge [sflag:s23], $0x1  }
0xa4: {  	[sflag:s23] =	ssyncset.done $0x0  }
0xa5: {  	s25 =	simm.s32 $0x1B8E;
	s24 =	sld [smem:$0x3FFE];
	[sflag:s23] =	ssyncadd.s32 $0xFFFFFFFF  }
0xa6: {  	s26 =	simm.s32 $execute0_lowered;
	[smem:$0x3FD2] =	sst s25  }
0xa7: {  	s6 =	sshll.u32 s26, $0x1;
	_ =	strace $0x80000046;
	[dreg:$0x1] =	wrdreg $0xFFFFFFFF  }
0xa8: {  	s28 =	simm.s32 $_size_execute0_lowered;
	s4 =	sadd.s32 s4, s6;
	[dreg:$0x0] =	wrdreg $0x0  }
0xa9: {  	s6 =	sshll.u32 s28, $0x1;
	[dreg:$0x2] =	wrdreg s4  }
0xaa: {  	[dreg:$0x3] =	wrdreg s6  }
0xab: {  	[dreg:$0x4] =	wrdreg $0xC0  }
0xac: {  	_ =	task [dreg:s8], $0x5FFFF  }
0xad: {  	[dreg:$0x1] =	wrdreg $0xFFFFFFFF  }
0xae: {  	[dreg:$0x0] =	wrdreg $0x60  }
0xaf: {  	[dreg:$0x2] =	wrdreg s2  }
0xb0: {  	[dreg:$0x3] =	wrdreg s18  }
0xb1: {  	[dreg:$0x4] =	wrdreg s24  }
0xb2: {  	[dreg:$0x5] =	wrdreg $0x9  }
0xb3: {  	_ =	task.clear_ibuf [dreg:s8], $0x6FFFF;
	_ =	strace $0x90000046  }
0xb4: {  	s29 =	simm.s32 $0x9;
	_ =	strace $0x80000048  }
0xb5: {  	_ =	swait.ge [sflag:s29], $0x1  }
0xb6: {  	[sflag:s29] =	ssyncadd.s32 $0xFFFFFFFF  }
0xb7: {  	_ =	strace $0x90000048  }
0xb8: {  	_ =	sfence  }
0xb9: {  	s30 =	sld [smem:$0x0];
	_ =	sdelay $0x2  }
0xba: {  	s31 =	sshll.u32 s1, $0xD;
	s1 =	sshrl.u32 s1, $0x2  }
0xbb: {  	s3 =	sand.u32 $0x4000, s31;
	s1 =	sadd.s32 s1, s30  }
0xbc: {  	s0 =	sor.u32 s3, s0;
	s1 =	sshll.u32 s1, $0x11  }
0xbd: {  	s0 =	sor.u32 s1, s0  }
0xbe: {  	s0 =	sadd.s32 $0x8F2B, s0  }
0xbf: {  	[sflag:s0] =	ssyncadd.remote.s32 $0x1  }
0xc0: {  	_ =	sfence.sel $0xFFFF  }
0xc1: {  	[dreg:$0x0] =	wrdreg $0xFFFFFFFF;
	(pc) =	sbr.abs _section_cstart, $3  }
0xc2: {  	[dreg:$0x1] =	wrdreg $0xFFFFFFFF  }
0xc3: {  	_ =	task.clear_ibuf [dreg:s8], $0x2FFFF;
	_ =	strace $0x9FFFFFFF  }
0xc4: {  	(tm) =	ssettm $0x7FFFFFFF  }
0xc5: {  	_ =	shalt  }
tec
execute0_lowered:
.L_overlay_start_1:
0x0: {  	(tag) =	ssettag $0x1  }
0x1: {  	s2 =	rddreg [dreg:$0x0]  }
0x2: {  	s3 =	rddreg [dreg:$0x1]  }
0x3: {  	s9 =	rddreg [dreg:$0x2]  }
0x4: {  	s4 =	srdreg.scid;
	s1 =	stileid.u32  }
0x5: {  	s0 =	rddreg [dreg:$0x3];
	s13 =	simm.s32 $0x12000;
	s14 =	simm.s32 $0x1  }
0x6: {  	s15 =	simm.s32 $0x2;
	s16 =	simm.s32 $0x18000;
	s17 =	simm.s32 $0x3  }
0x7: {  	s18 =	simm.s32 $0x0;
	s5 =	sand.u32 $0x1, s4;
	s6 =	sshll.u32 s1, $0x1  }
0x8: {  	s4 =	simm.s32 $0x0;
	s7 =	ssub.s32 $0x2, s5;
	s8 =	sor.u32 s5, s6  }
0x9: {  	[smem:$0x7FF] =	sst s4;
	s31 =	sshrl.u32 s7, $0x1;
	s6 =	smul.u32 $0x9000, s8  }
0xa: {  	_ =	strace $0x80000047;
	s11 =	smul.u32 $0x240, s8;
	s12 =	sshll.u32 s8, $0x4  }
0xb: {  	s10 =	ssub.s32 s7, s31;
	s9 =	sadd.s32 s9, s12;
	s12 =	simm.s32 $0xC000  }
0xc: {  	s5 =	sadd.s32 s2, s6;
	s6 =	sadd.s32 s3, s6;
	s7 =	sor.u32 $0x30, s11  }
0xd: {  	v0 =	vimm.f32 $0.0e+00;
	s8 =	sadd.s32 $0x60, s11;
	s10 =	smax.u32 s10, $0x1;
	s11 =	simm.s32 $0x6000  }
.LBB2_1:
0xe: {  	[tilespmem:s4], [sflag:$0x1] =	stream.linear.gather [hbm4b:s5+s4], $0x6000, $0x38;
	[tilespmem:$0x18080] =	vst v63  }
0xf: {  	s19 =	simm.s32 $0x0  }
0x10: {  	v1 =	vimm.f32 $0.0e+00;
	v2 =	vimm.f32 $0.0e+00;
	v3 =	vimm.f32 $0.0e+00;
	[tilespmem:s11], [sflag:$0x1] =	stream.linear.gather [hbm4b:s6+s4], $0x6000, $0x38;
	[tilespmem:$0x18080] =	vst v63  }
.LBB2_2:
0x11: {  	s20 =	smul.u32 $0x60, s19;
	_ =	sdelay $0x1  }
0x12: {  	s21 =	sadd.s32 s20, s7  }
0x13: {  	s22 =	sshll.u32 s21, $0x6  }
0x14: {  	s21 =	simm.s32 $0x0;
	s23 =	sadd.s32 s2, s22  }
0x15: {  	[tilespmem:s12], [sflag:$0x2] =	stream.linear.gather [hbm4b:s23+s21], $0x6000, $0x38;
	[tilespmem:$0x18080] =	vst v63  }
0x16: {  	s22 =	sadd.s32 s3, s22  }
0x17: {  	[tilespmem:s13], [sflag:$0x2] =	stream.linear.gather [hbm4b:s22+s21], $0x6000, $0x38;
	[tilespmem:$0x18080] =	vst v63  }
0x18: {  	_ =	swait.ge [sflag:s14], $0x6000  }
0x19: {  	[sflag:s14] =	ssyncset.done $0x0  }
0x1a: {  	[sflag:s14] =	ssyncadd.s32 $0xFFFFA000  }
0x1b: {  	_ =	swait.ge [sflag:s14], $0x6000  }
0x1c: {  	[sflag:s14] =	ssyncset.done $0x0  }
0x1d: {  	[sflag:s14] =	ssyncadd.s32 $0xFFFFA000  }
.LBB2_3:
0x1e: {  	s22 =	sshll.u32 s21, $0x9;
	s23 =	sshll.u32 s21, $0x7  }
0x1f: {  	s22 =	sand.u32 $0x7000, s22;
	s23 =	sand.u32 $0x380, s23  }
0x20: {  	p0 =	por $0x1, $0x1;
	s22 =	sor.u32 s22, s23;
	s23 =	simm.s32 $0x0  }
.LBB2_4:
0x21: {  	s23 =	sor.u32 s23, s22  }
0x22: {  	v4 =	vld [tilespmem:s23+$0x0]  }
0x23: {  	v5 =	vld [tilespmem:s23+$0x6000]  }
0x24: {  	s24 =	sor.u32 $0x10, s23;
	v7 =	vld [tilespmem:s23+$0x6010]  }
0x25: {  	v6 =	vld [tilespmem:s24+$0x0]  }
0x26: {  	v10 =	vld [tilespmem:s23+$0x6020]  }
0x27: {  	s30 =	sor.u32 $0x20, s23  }
0x28: {  	v9 =	vld [tilespmem:s30+$0x0];
	v8 =	vsub.f32 v4, v5  }
0x29: {  	s31 =	sor.u32 $0x30, s23;
	v25 =	vld [tilespmem:s23+$0x6040];
	vm0 =	vlt.f32 v4, $9.960936900e-01  }
0x2a: {  	v11 =	vld [tilespmem:s31+$0x0];
	vm10 =	vlt.f32 v5, $9.960936900e-01;
	v4 =	vsub.f32 v6, v7;
	v8 =	vmul.f32 v8, v8  }
0x2b: {  	v5 =	vld [tilespmem:s23+$0x6030];
	vm12 =	vlt.f32 v7, $9.960936900e-01;
	vm14 =	vlt.f32 v10, $9.960936900e-01;
	v21 =	vsel vm0, $0x3F800000, v0  }
0x2c: {  	v22 =	vsel vm10, $0x3F800000, v0;
	v4 =	vmul.f32 v4, v4;
	v3 =	vadd.f32 v8, v3  }
0x2d: {  	s25 =	sor.u32 $0x40, s23;
	vm11 =	vlt.f32 v6, $9.960936900e-01;
	v23 =	vsub.f32 v9, v10;
	v2 =	vadd.f32 v21, v2  }
0x2e: {  	v24 =	vld [tilespmem:s25+$0x0];
	v1 =	vadd.f32 v22, v1;
	v3 =	vadd.f32 v4, v3;
	v4 =	vsel vm11, $0x3F800000, v0  }
0x2f: {  	vm6 =	vlt.f32 v25, $9.960936900e-01;
	v2 =	vadd.f32 v4, v2;
	v4 =	vsel vm12, $0x3F800000, v0  }
0x30: {  	s26 =	sor.u32 $0x50, s23;
	v28 =	vld [tilespmem:s23+$0x6050];
	v6 =	vmul.f32 v23, v23;
	v1 =	vadd.f32 v4, v1;
	v4 =	vsub.f32 v11, v5  }
0x31: {  	v26 =	vld [tilespmem:s26+$0x0];
	vm13 =	vlt.f32 v9, $9.960936900e-01;
	v29 =	vsel vm14, $0x3F800000, v0;
	vm15 =	vlt.f32 v11, $9.960936900e-01  }
0x32: {  	s28 =	sor.u32 $0x60, s23;
	v27 =	vsel vm13, $0x3F800000, v0;
	v3 =	vadd.f32 v6, v3;
	v4 =	vmul.f32 v4, v4  }
0x33: {  	v31 =	vld [tilespmem:s28+$0x0];
	v30 =	vsub.f32 v24, v25;
	vm4 =	vlt.f32 v5, $9.960936900e-01;
	v2 =	vadd.f32 v27, v2  }
0x34: {  	v5 =	vld [tilespmem:s23+$0x6060];
	v1 =	vadd.f32 v29, v1;
	v3 =	vadd.f32 v4, v3;
	v4 =	vsel vm15, $0x3F800000, v0  }
0x35: {  	v34 =	vld [tilespmem:s23+$0x6070];
	vm8 =	vlt.f32 v28, $9.960936900e-01;
	v2 =	vadd.f32 v4, v2;
	v4 =	vsel vm4, $0x3F800000, v0  }
0x36: {  	s29 =	sor.u32 $0x70, s23;
	v38 =	vld [tilespmem:s23+$0x6400];
	v6 =	vmul.f32 v30, v30;
	v1 =	vadd.f32 v4, v1;
	v4 =	vsub.f32 v26, v28  }
0x37: {  	v32 =	vld [tilespmem:s29+$0x0];
	s30 =	sor.u32 $0x400, s23;
	vm5 =	vlt.f32 v24, $9.960936900e-01;
	v35 =	vsel vm6, $0x3F800000, v0;
	vm7 =	vlt.f32 v26, $9.960936900e-01  }
0x38: {  	v37 =	vld [tilespmem:s30+$0x0];
	v33 =	vsel vm5, $0x3F800000, v0;
	v3 =	vadd.f32 v6, v3;
	v4 =	vmul.f32 v4, v4  }
0x39: {  	vm9 =	vlt.f32 v31, $9.960936900e-01;
	v36 =	vsub.f32 v31, v5;
	v2 =	vadd.f32 v33, v2  }
0x3a: {  	v1 =	vadd.f32 v35, v1;
	v3 =	vadd.f32 v4, v3;
	v4 =	vsel vm7, $0x3F800000, v0  }
0x3b: {  	v44 =	vld [tilespmem:s23+$0x6420];
	s31 =	sor.u32 $0x410, s23;
	vm14 =	vlt.f32 v38, $9.960936900e-01;
	v2 =	vadd.f32 v4, v2;
	v4 =	vsel vm8, $0x3F800000, v0  }
0x3c: {  	v39 =	vld [tilespmem:s31+$0x0];
	v6 =	vmul.f32 v36, v36;
	v1 =	vadd.f32 v4, v1;
	v4 =	vsub.f32 v32, v34  }
0x3d: {  	s25 =	sor.u32 $0x420, s23;
	v40 =	vsel vm9, $0x3F800000, v0;
	v42 =	vsub.f32 v37, v38;
	vm10 =	vlt.f32 v5, $9.960936900e-01;
	v5 =	vld [tilespmem:s23+$0x6410]  }
0x3e: {  	v43 =	vld [tilespmem:s25+$0x0];
	vm11 =	vlt.f32 v32, $9.960936900e-01;
	v3 =	vadd.f32 v6, v3;
	v4 =	vmul.f32 v4, v4  }
0x3f: {  	vm12 =	vlt.f32 v34, $9.960936900e-01;
	v41 =	vsel vm10, $0x3F800000, v0;
	v2 =	vadd.f32 v40, v2  }
0x40: {  	v1 =	vadd.f32 v41, v1;
	v3 =	vadd.f32 v4, v3;
	v4 =	vsel vm11, $0x3F800000, v0  }
0x41: {  	vm6 =	vlt.f32 v44, $9.960936900e-01;
	v2 =	vadd.f32 v4, v2;
	v4 =	vsel vm12, $0x3F800000, v0  }
0x42: {  	v47 =	vld [tilespmem:s23+$0x6430];
	s26 =	sor.u32 $0x430, s23;
	v6 =	vmul.f32 v42, v42;
	v1 =	vadd.f32 v4, v1;
	v4 =	vsub.f32 v39, v5  }
0x43: {  	v45 =	vld [tilespmem:s26+$0x0];
	vm13 =	vlt.f32 v37, $9.960936900e-01;
	v48 =	vsel vm14, $0x3F800000, v0;
	v49 =	vsub.f32 v43, v44  }
0x44: {  	s28 =	sor.u32 $0x440, s23;
	v46 =	vsel vm13, $0x3F800000, v0;
	v3 =	vadd.f32 v6, v3;
	v4 =	vmul.f32 v4, v4  }
0x45: {  	v50 =	vld [tilespmem:s28+$0x0];
	vm15 =	vlt.f32 v39, $9.960936900e-01;
	vm4 =	vlt.f32 v5, $9.960936900e-01;
	v2 =	vadd.f32 v46, v2  }
0x46: {  	v5 =	vld [tilespmem:s23+$0x6440];
	v1 =	vadd.f32 v48, v1;
	v3 =	vadd.f32 v4, v3;
	v4 =	vsel vm15, $0x3F800000, v0  }
0x47: {  	vm5 =	vlt.f32 v43, $9.960936900e-01;
	v2 =	vadd.f32 v4, v2;
	v4 =	vsel vm4, $0x3F800000, v0  }
0x48: {  	v53 =	vld [tilespmem:s23+$0x6450];
	s29 =	sor.u32 $0x450, s23;
	v6 =	vmul.f32 v49, v49;
	v1 =	vadd.f32 v4, v1;
	v4 =	vsub.f32 v45, v47  }
0x49: {  	v51 =	vld [tilespmem:s29+$0x0];
	v54 =	vsel vm6, $0x3F800000, v0;
	v52 =	vsel vm5, $0x3F800000, v0  }
0x4a: {  	v57 =	vld [tilespmem:s23+$0x6460];
	s30 =	sor.u32 $0x460, s23;
	vm7 =	vlt.f32 v45, $9.960936900e-01;
	v3 =	vadd.f32 v6, v3;
	v4 =	vmul.f32 v4, v4  }
0x4b: {  	v56 =	vld [tilespmem:s30+$0x0];
	vm8 =	vlt.f32 v47, $9.960936900e-01;
	v55 =	vsub.f32 v50, v5;
	v2 =	vadd.f32 v52, v2  }
0x4c: {  	v1 =	vadd.f32 v54, v1;
	v3 =	vadd.f32 v4, v3;
	v4 =	vsel vm7, $0x3F800000, v0  }
0x4d: {  	s31 =	sor.u32 $0x470, s23;
	vm9 =	vlt.f32 v50, $9.960936900e-01;
	v2 =	vadd.f32 v4, v2;
	v4 =	vsel vm8, $0x3F800000, v0  }
0x4e: {  	v58 =	vld [tilespmem:s31+$0x0];
	v6 =	vmul.f32 v55, v55;
	v1 =	vadd.f32 v4, v1;
	v4 =	vsub.f32 v51, v53  }
0x4f: {  	vm1 =	vlt.f32 v53, $9.960936900e-01;
	v59 =	vsel vm9, $0x3F800000, v0;
	vm10 =	vlt.f32 v5, $9.960936900e-01;
	v5 =	vld [tilespmem:s23+$0x6470]  }
0x50: {  	v61 =	vsub.f32 v56, v57;
	v3 =	vadd.f32 v6, v3;
	v4 =	vmul.f32 v4, v4  }
0x51: {  	vm11 =	vlt.f32 v51, $9.960936900e-01;
	v60 =	vsel vm10, $0x3F800000, v0;
	v2 =	vadd.f32 v59, v2  }
0x52: {  	v1 =	vadd.f32 v60, v1;
	v3 =	vadd.f32 v4, v3;
	v4 =	vsel vm11, $0x3F800000, v0  }
0x53: {  	vm13 =	vlt.f32 v57, $9.960936900e-01;
	v2 =	vadd.f32 v4, v2;
	v4 =	vsel vm1, $0x3F800000, v0  }
0x54: {  	p1 =	por p0, p0;
	v6 =	vmul.f32 v61, v61;
	v1 =	vadd.f32 v4, v1;
	v4 =	vsub.f32 v58, v5  }
.Ltmp0:
0x55: {  	vm14 =	vlt.f32 v58, $9.960936900e-01;
	v63 =	vsel vm13, $0x3F800000, v0;
	vm12 =	vlt.f32 v56, $9.960936900e-01;
	(pc) =	sbr.rel @p1 .LBB2_4-.Ltmp0, $4  }
0x56: {  	v62 =	vsel vm12, $0x3F800000, v0;
	v3 =	vadd.f32 v6, v3;
	v4 =	vmul.f32 v4, v4  }
0x57: {  	vm15 =	vlt.f32 v5, $9.960936900e-01;
	v2 =	vadd.f32 v62, v2;
	v1 =	vadd.f32 v63, v1  }
0x58: {  	v5 =	vsel vm14, $0x3F800000, v0;
	v3 =	vadd.f32 v4, v3;
	v4 =	vsel vm15, $0x3F800000, v0  }
0x59: {  	p0 =	por $0x0, $0x0;
	s23 =	simm.s32 $0x800;
	v2 =	vadd.f32 v5, v2;
	v1 =	vadd.f32 v4, v1  }
0x5a: {  	s21 =	sadd.s32 $0x1, s21  }
0x5b: {  	p0 =	sne.s32 s21, $0x30  }
.Ltmp1:
0x5c: {  	_ = 	snop;
	(pc) =	sbr.rel @p0 .LBB2_3-.Ltmp1, $1  }
0x5d: {  	_ =	sdelay $0x3  }
0x5e: {  	p0 =	seq.s32 s19, $0x5  }
0x5f: {  	s20 =	sadd.s32 @!p0 s20, s8  }
0x60: {  	s20 =	sshll.u32 @!p0 s20, $0x6  }
0x61: {  	s22 =	simm.s32 @!p0 $0x0;
	s21 =	sadd.s32 @!p0 s2, s20  }
0x62: {  	[tilespmem:s22], [sflag:$0x1] =	stream.linear.gather @!p0 [hbm4b:s21+s22], $0x6000, $0x38;
	[tilespmem:$0x18080] =	vst v63  }
0x63: {  	s20 =	sadd.s32 @!p0 s3, s20;
	s21 =	simm.s32 @!p0 $0x6000  }
0x64: {  	[tilespmem:s21], [sflag:$0x1] =	stream.linear.gather @!p0 [hbm4b:s20+s22], $0x6000, $0x38;
	[tilespmem:$0x18080] =	vst v63  }
0x65: {  	_ =	swait.ge [sflag:s15], $0x6000  }
0x66: {  	[sflag:s15] =	ssyncset.done $0x0  }
0x67: {  	[sflag:s15] =	ssyncadd.s32 $0xFFFFA000  }
0x68: {  	_ =	swait.ge [sflag:s15], $0x6000  }
0x69: {  	[sflag:s15] =	ssyncset.done $0x0  }
0x6a: {  	s20 =	simm.s32 $0x0;
	[sflag:s15] =	ssyncadd.s32 $0xFFFFA000  }
.LBB2_7:
0x6b: {  	s21 =	sshll.u32 s20, $0x9;
	s22 =	sshll.u32 s20, $0x7  }
0x6c: {  	s21 =	sand.u32 $0x7000, s21;
	s22 =	sand.u32 $0x380, s22  }
0x6d: {  	p0 =	por $0x1, $0x1;
	s21 =	sor.u32 s21, s22;
	s22 =	simm.s32 $0x0  }
.LBB2_8:
0x6e: {  	s22 =	sor.u32 s22, s21  }
0x6f: {  	v4 =	vld [tilespmem:s22+$0xC000]  }
0x70: {  	v5 =	vld [tilespmem:s22+$0x12000]  }
0x71: {  	v6 =	vld [tilespmem:s22+$0xC010]  }
0x72: {  	v7 =	vld [tilespmem:s22+$0x12010]  }
0x73: {  	v9 =	vld [tilespmem:s22+$0xC020]  }
0x74: {  	v10 =	vld [tilespmem:s22+$0x12020];
	_ =	sdelay $0x1  }
0x75: {  	v8 =	vsub.f32 v4, v5  }
0x76: {  	v11 =	vld [tilespmem:s22+$0xC030];
	vm0 =	vlt.f32 v4, $9.960936900e-01  }
0x77: {  	v24 =	vld [tilespmem:s22+$0xC040];
	v4 =	vsub.f32 v6, v7;
	vm10 =	vlt.f32 v5, $9.960936900e-01;
	v8 =	vmul.f32 v8, v8  }
0x78: {  	v5 =	vld [tilespmem:s22+$0x12030];
	vm11 =	vlt.f32 v6, $9.960936900e-01;
	v23 =	vsub.f32 v9, v10;
	vm12 =	vlt.f32 v7, $9.960936900e-01  }
0x79: {  	v25 =	vld [tilespmem:s22+$0x12040];
	v21 =	vsel vm0, $0x3F800000, v0;
	v4 =	vmul.f32 v4, v4;
	v3 =	vadd.f32 v8, v3  }
0x7a: {  	vm13 =	vlt.f32 v9, $9.960936900e-01;
	v22 =	vsel vm10, $0x3F800000, v0;
	v2 =	vadd.f32 v21, v2  }
0x7b: {  	v1 =	vadd.f32 v22, v1;
	v3 =	vadd.f32 v4, v3;
	v4 =	vsel vm11, $0x3F800000, v0  }
0x7c: {  	v26 =	vld [tilespmem:s22+$0xC050];
	vm14 =	vlt.f32 v10, $9.960936900e-01;
	v2 =	vadd.f32 v4, v2;
	v4 =	vsel vm12, $0x3F800000, v0  }
0x7d: {  	v28 =	vld [tilespmem:s22+$0x12050];
	v6 =	vmul.f32 v23, v23;
	v1 =	vadd.f32 v4, v1;
	v4 =	vsub.f32 v11, v5  }
0x7e: {  	v31 =	vld [tilespmem:s22+$0xC060];
	vm15 =	vlt.f32 v11, $9.960936900e-01;
	v30 =	vsub.f32 v24, v25;
	vm5 =	vlt.f32 v24, $9.960936900e-01  }
0x7f: {  	v32 =	vld [tilespmem:s22+$0xC070];
	v27 =	vsel vm13, $0x3F800000, v0;
	v3 =	vadd.f32 v6, v3;
	v4 =	vmul.f32 v4, v4  }
0x80: {  	v34 =	vld [tilespmem:s22+$0x12070];
	v29 =	vsel vm14, $0x3F800000, v0;
	vm4 =	vlt.f32 v5, $9.960936900e-01;
	v2 =	vadd.f32 v27, v2  }
0x81: {  	v5 =	vld [tilespmem:s22+$0x12060];
	v1 =	vadd.f32 v29, v1;
	v3 =	vadd.f32 v4, v3;
	v4 =	vsel vm15, $0x3F800000, v0  }
0x82: {  	v37 =	vld [tilespmem:s22+$0xC400];
	vm6 =	vlt.f32 v25, $9.960936900e-01;
	v2 =	vadd.f32 v4, v2;
	v4 =	vsel vm4, $0x3F800000, v0  }
0x83: {  	v38 =	vld [tilespmem:s22+$0x12400];
	v6 =	vmul.f32 v30, v30;
	v1 =	vadd.f32 v4, v1;
	v4 =	vsub.f32 v26, v28  }
0x84: {  	v43 =	vld [tilespmem:s22+$0xC420];
	vm7 =	vlt.f32 v26, $9.960936900e-01;
	vm8 =	vlt.f32 v28, $9.960936900e-01;
	vm9 =	vlt.f32 v31, $9.960936900e-01  }
0x85: {  	v44 =	vld [tilespmem:s22+$0x12420];
	v33 =	vsel vm5, $0x3F800000, v0;
	v3 =	vadd.f32 v6, v3;
	v4 =	vmul.f32 v4, v4  }
0x86: {  	v35 =	vsel vm6, $0x3F800000, v0;
	v36 =	vsub.f32 v31, v5;
	v2 =	vadd.f32 v33, v2  }
0x87: {  	v1 =	vadd.f32 v35, v1;
	v3 =	vadd.f32 v4, v3;
	v4 =	vsel vm7, $0x3F800000, v0  }
0x88: {  	v42 =	vsub.f32 v37, v38;
	v2 =	vadd.f32 v4, v2;
	v4 =	vsel vm8, $0x3F800000, v0  }
0x89: {  	v39 =	vld [tilespmem:s22+$0xC410];
	v6 =	vmul.f32 v36, v36;
	v1 =	vadd.f32 v4, v1;
	v4 =	vsub.f32 v32, v34  }
0x8a: {  	v49 =	vsub.f32 v43, v44;
	v40 =	vsel vm9, $0x3F800000, v0;
	vm10 =	vlt.f32 v5, $9.960936900e-01;
	v5 =	vld [tilespmem:s22+$0x12410]  }
0x8b: {  	vm11 =	vlt.f32 v32, $9.960936900e-01;
	v3 =	vadd.f32 v6, v3;
	v4 =	vmul.f32 v4, v4  }
0x8c: {  	vm12 =	vlt.f32 v34, $9.960936900e-01;
	v41 =	vsel vm10, $0x3F800000, v0;
	v2 =	vadd.f32 v40, v2  }
0x8d: {  	v1 =	vadd.f32 v41, v1;
	v3 =	vadd.f32 v4, v3;
	v4 =	vsel vm11, $0x3F800000, v0  }
0x8e: {  	vm13 =	vlt.f32 v37, $9.960936900e-01;
	v2 =	vadd.f32 v4, v2;
	v4 =	vsel vm12, $0x3F800000, v0  }
0x8f: {  	v45 =	vld [tilespmem:s22+$0xC430];
	v6 =	vmul.f32 v42, v42;
	v1 =	vadd.f32 v4, v1;
	v4 =	vsub.f32 v39, v5  }
0x90: {  	v47 =	vld [tilespmem:s22+$0x12430];
	vm14 =	vlt.f32 v38, $9.960936900e-01;
	vm5 =	vlt.f32 v43, $9.960936900e-01;
	v46 =	vsel vm13, $0x3F800000, v0  }
0x91: {  	v50 =	vld [tilespmem:s22+$0xC440];
	v48 =	vsel vm14, $0x3F800000, v0;
	v3 =	vadd.f32 v6, v3;
	v4 =	vmul.f32 v4, v4  }
0x92: {  	v51 =	vld [tilespmem:s22+$0xC450];
	vm15 =	vlt.f32 v39, $9.960936900e-01;
	vm4 =	vlt.f32 v5, $9.960936900e-01;
	v2 =	vadd.f32 v46, v2  }
0x93: {  	v5 =	vld [tilespmem:s22+$0x12440];
	v1 =	vadd.f32 v48, v1;
	v3 =	vadd.f32 v4, v3;
	v4 =	vsel vm15, $0x3F800000, v0  }
0x94: {  	v56 =	vld [tilespmem:s22+$0xC460];
	vm6 =	vlt.f32 v44, $9.960936900e-01;
	v2 =	vadd.f32 v4, v2;
	v4 =	vsel vm4, $0x3F800000, v0  }
0x95: {  	v57 =	vld [tilespmem:s22+$0x12460];
	v6 =	vmul.f32 v49, v49;
	v1 =	vadd.f32 v4, v1;
	v4 =	vsub.f32 v45, v47  }
0x96: {  	v53 =	vld [tilespmem:s22+$0x12450];
	v52 =	vsel vm5, $0x3F800000, v0;
	v54 =	vsel vm6, $0x3F800000, v0  }
0x97: {  	vm7 =	vlt.f32 v45, $9.960936900e-01;
	v3 =	vadd.f32 v6, v3;
	v4 =	vmul.f32 v4, v4  }
0x98: {  	vm8 =	vlt.f32 v47, $9.960936900e-01;
	v55 =	vsub.f32 v50, v5;
	v2 =	vadd.f32 v52, v2  }
0x99: {  	v1 =	vadd.f32 v54, v1;
	v3 =	vadd.f32 v4, v3;
	v4 =	vsel vm7, $0x3F800000, v0  }
0x9a: {  	v61 =	vsub.f32 v56, v57;
	v2 =	vadd.f32 v4, v2;
	v4 =	vsel vm8, $0x3F800000, v0  }
0x9b: {  	v58 =	vld [tilespmem:s22+$0xC470];
	v6 =	vmul.f32 v55, v55;
	v1 =	vadd.f32 v4, v1;
	v4 =	vsub.f32 v51, v53  }
0x9c: {  	vm1 =	vlt.f32 v53, $9.960936900e-01;
	vm9 =	vlt.f32 v50, $9.960936900e-01;
	vm10 =	vlt.f32 v5, $9.960936900e-01;
	v5 =	vld [tilespmem:s22+$0x12470]  }
0x9d: {  	v59 =	vsel vm9, $0x3F800000, v0;
	v3 =	vadd.f32 v6, v3;
	v4 =	vmul.f32 v4, v4  }
0x9e: {  	vm11 =	vlt.f32 v51, $9.960936900e-01;
	v60 =	vsel vm10, $0x3F800000, v0;
	v2 =	vadd.f32 v59, v2  }
0x9f: {  	v1 =	vadd.f32 v60, v1;
	v3 =	vadd.f32 v4, v3;
	v4 =	vsel vm11, $0x3F800000, v0  }
0xa0: {  	vm13 =	vlt.f32 v57, $9.960936900e-01;
	v2 =	vadd.f32 v4, v2;
	v4 =	vsel vm1, $0x3F800000, v0  }
0xa1: {  	p1 =	por p0, p0;
	v6 =	vmul.f32 v61, v61;
	v1 =	vadd.f32 v4, v1;
	v4 =	vsub.f32 v58, v5  }
.Ltmp2:
0xa2: {  	vm14 =	vlt.f32 v58, $9.960936900e-01;
	v63 =	vsel vm13, $0x3F800000, v0;
	vm12 =	vlt.f32 v56, $9.960936900e-01;
	(pc) =	sbr.rel @p1 .LBB2_8-.Ltmp2, $4  }
0xa3: {  	v62 =	vsel vm12, $0x3F800000, v0;
	v3 =	vadd.f32 v6, v3;
	v4 =	vmul.f32 v4, v4  }
0xa4: {  	vm15 =	vlt.f32 v5, $9.960936900e-01;
	v2 =	vadd.f32 v62, v2;
	v1 =	vadd.f32 v63, v1  }
0xa5: {  	v5 =	vsel vm14, $0x3F800000, v0;
	v3 =	vadd.f32 v4, v3;
	v4 =	vsel vm15, $0x3F800000, v0  }
0xa6: {  	p0 =	por $0x0, $0x0;
	s22 =	simm.s32 $0x800;
	v2 =	vadd.f32 v5, v2;
	v1 =	vadd.f32 v4, v1  }
0xa7: {  	s20 =	sadd.s32 $0x1, s20  }
0xa8: {  	p0 =	sne.s32 s20, $0x30  }
.Ltmp3:
0xa9: {  	_ = 	snop;
	(pc) =	sbr.rel @p0 .LBB2_7-.Ltmp3, $1  }
0xaa: {  	_ =	sdelay $0x3  }
0xab: {  	s19 =	sadd.s32 $0x1, s19  }
0xac: {  	p0 =	sne.s32 s19, $0x6  }
.Ltmp4:
0xad: {  	_ = 	snop;
	(pc) =	sbr.rel @p0 .LBB2_2-.Ltmp4, $1  }
0xae: {  	_ =	sdelay $0x3  }
0xaf: {  	[tilespmem:$0x18000] =	vst v3;
	s18 =	sadd.s32 $0x1, s18  }
0xb0: {  	[tilespmem:$0x18010] =	vst v2;
	p0 =	sne.s32 s18, s10  }
.Ltmp5:
0xb1: {  	[tilespmem:$0x18020] =	vst v1;
	(pc) =	sbr.rel @p0 .LBB2_1-.Ltmp5, $4  }
0xb2: {  	[hbm4b:s9+s4] =	stream.linear.scatter [tilespmem:s16], [sflag:$0x3], $0x80, $0x38;
	[tilespmem:$0x18080] =	vst v63  }
0xb3: {  	_ =	swait.ge [sflag:s17], $0x80  }
0xb4: {  	[sflag:s17] =	ssyncset.done $0x0  }
0xb5: {  	[sflag:s17] =	ssyncadd.s32 $0xFFFFFF80  }
0xb6: {  	_ =	sfence.sel $0x180000  }
0xb7: {  	[bflag:$0x0] =	sbarrier.arrive $0xFFFF  }
0xb8: {  	p0 =	sne.s32 s1, $0x0;
	_ =	strace $0x90000047  }
0xb9: {  	s0 =	sadd.s32 @!p0 $0x100000, s0;
	[bflag:$0x2] =	sbarrier.arrive $0xFFFF  }
0xba: {  	[sflag:s0] =	ssyncadd.tile.s32 @!p0 $0x1;
	_ =	shalt  }
.Lfunc_end2:
_tile_overlayer_lowered:
.L_overlay_start_2:
0xbb: {  	(tag) =	ssettag $0x2  }
0xbc: {  	s0 =	rddreg [dreg:$0x0];
	s2 =	stileid.u32  }
0xbd: {  	s1 =	rddreg [dreg:$0x1];
	p0 =	sne.s32 s2, $0x0  }
0xbe: {  	s3 =	rddreg [dreg:$0x2];
	[bflag:$0x3] =	sbarrier.arrive $0xFFFF;
	s2 =	simm.s32 @!p0 $0x1C03  }
0xbf: {  	[timem:s3], [sflag:s2] =	dma.local @!p0 [hbm:s0], s1  }
0xc0: {  	s0 =	simm.s32 @!p0 $0x3  }
0xc1: {  	_ =	swait.ge @!p0 [sflag:s0], s1  }
0xc2: {  	s1 =	ssub.s32 @!p0 $0x0, s1;
	[sflag:s0] =	ssyncset.done @!p0 $0x0  }
0xc3: {  	[sflag:s0] =	ssyncadd.s32 @!p0 s1  }
0xc4: {  	[bflag:$0x3] =	sbarrier.arrive $0xFFFF  }
0xc5: {  	_ =	shalt  }

</sc_bundles>
